<compile_context>
chip_gen: v7x
topology: tpu7x:2x2x1
jax: 0.10.2.dev20260603
libtpu: 0.0.44.dev20260713+nightly
codegen_flags: <defaults>
</compile_context>

<pallas_src>
import functools

import jax
import jax.numpy as jnp
from jax import lax
from jax.experimental import pallas as pl
from jax.experimental.pallas import tpu as pltpu
from jax.experimental.pallas import tpu_sc as plsc

N_NODES = 10000
N_EDGES = 160000
D = 256
DW = 16
NC, NS = 2, 16
R = 10112
RP = R // NS
EB = 128
NB = 40
CB = 20
NK = NB // CB
EP = NC * NS * NB * EB

_SC_PARAMS = pltpu.CompilerParams(use_tc_tiling_on_sc=False)


def _sc_aggregate(xb, src4, dst4, zacc, zdeg, ones16):
    mesh = plsc.VectorSubcoreMesh(core_axis_name="c", subcore_axis_name="s")

    @functools.partial(
        pl.kernel,
        out_type=(jax.ShapeDtypeStruct((NC, R, D), jnp.bfloat16),
                  jax.ShapeDtypeStruct((NC, R, DW), jnp.float32)),
        mesh=mesh,
        compiler_params=_SC_PARAMS,
        scratch_types=[
            pltpu.VMEM((CB, EB), jnp.int32),
            pltpu.VMEM((CB, EB), jnp.int32),
            pltpu.VMEM((EB, D), jnp.bfloat16),
            pltpu.VMEM((EB, D), jnp.bfloat16),
            pltpu.VMEM((EB, DW), jnp.float32),
            pltpu.VMEM_SHARED((R, D), jnp.bfloat16),
            pltpu.VMEM_SHARED((R, DW), jnp.float32),
            pltpu.SemaphoreType.DMA,
            pltpu.SemaphoreType.DMA,
        ],
    )
    def body(xb_hbm, src4_hbm, dst4_hbm, zacc_hbm, zdeg_hbm, ones_hbm,
             out_hbm, deg_hbm, src_idx, dst_idx, rows0, rows1, ones_v,
             acc_sh, deg_sh, sem0, sem1):
        c = lax.axis_index("c")
        s = lax.axis_index("s")
        pltpu.sync_copy(src4_hbm.at[c, s, pl.ds(0, CB)], src_idx)
        pltpu.sync_copy(dst4_hbm.at[c, s, pl.ds(0, CB)], dst_idx)
        pltpu.async_copy(xb_hbm.at[src_idx.at[0]], rows0, sem0)
        pltpu.async_copy(xb_hbm.at[src_idx.at[1]], rows1, sem1)
        pltpu.sync_copy(zacc_hbm, acc_sh.at[pl.ds(s * RP, RP)])
        pltpu.sync_copy(zdeg_hbm, deg_sh.at[pl.ds(s * RP, RP)])
        pltpu.sync_copy(ones_hbm, ones_v)
        plsc.subcore_barrier()

        def chunk(k, carry):
            @pl.when(k > 0)
            def _():
                pltpu.sync_copy(src4_hbm.at[c, s, pl.ds(k * CB, CB)], src_idx)
                pltpu.sync_copy(dst4_hbm.at[c, s, pl.ds(k * CB, CB)], dst_idx)
                pltpu.async_copy(xb_hbm.at[src_idx.at[0]], rows0, sem0)
                pltpu.async_copy(xb_hbm.at[src_idx.at[1]], rows1, sem1)

            def pair(p, carry2):
                b0 = 2 * p
                last = p >= CB // 2 - 1

                pltpu.make_async_copy(xb_hbm.at[src_idx.at[b0]], rows0,
                                      sem0).wait()
                pltpu.sync_copy(rows0, acc_sh.at[dst_idx.at[b0]], add=True)
                pltpu.sync_copy(ones_v, deg_sh.at[dst_idx.at[b0]], add=True)

                @pl.when(jnp.logical_not(last))
                def _():
                    pltpu.async_copy(xb_hbm.at[src_idx.at[b0 + 2]], rows0,
                                     sem0)

                pltpu.make_async_copy(xb_hbm.at[src_idx.at[b0 + 1]], rows1,
                                      sem1).wait()
                pltpu.sync_copy(rows1, acc_sh.at[dst_idx.at[b0 + 1]], add=True)
                pltpu.sync_copy(ones_v, deg_sh.at[dst_idx.at[b0 + 1]],
                                add=True)

                @pl.when(jnp.logical_not(last))
                def _():
                    pltpu.async_copy(xb_hbm.at[src_idx.at[b0 + 3]], rows1,
                                     sem1)

                return carry2

            lax.fori_loop(0, CB // 2, pair, 0)
            return carry

        lax.fori_loop(0, NK, chunk, 0)
        plsc.subcore_barrier()
        pltpu.sync_copy(acc_sh.at[pl.ds(s * RP, RP)],
                        out_hbm.at[c].at[pl.ds(s * RP, RP)])
        pltpu.sync_copy(deg_sh.at[pl.ds(s * RP, RP)],
                        deg_hbm.at[c].at[pl.ds(s * RP, RP)])

    return body(xb, src4, dst4, zacc, zdeg, ones16)


def _tc_transport(agg, w, degp):
    MB = 1000

    def tc_body(a_ref, w_ref, d_ref, o_ref):
        af = (a_ref[0].astype(jnp.float32) + a_ref[1].astype(jnp.float32))
        y = lax.dot_general(af, w_ref[...], (((1,), (1,)), ((), ())),
                            preferred_element_type=jnp.float32)
        dg = d_ref[0, :, 0:1] + d_ref[1, :, 0:1]
        norm = jnp.where(dg > 0, lax.rsqrt(jnp.maximum(dg, 1.0)), 0.0)
        o_ref[...] = y * norm

    return pl.pallas_call(
        tc_body,
        grid=(N_NODES // MB,),
        in_specs=[
            pl.BlockSpec((NC, MB, D), lambda i: (0, i, 0)),
            pl.BlockSpec((D, D), lambda i: (0, 0)),
            pl.BlockSpec((NC, MB, DW), lambda i: (0, i, 0)),
        ],
        out_specs=pl.BlockSpec((MB, D), lambda i: (i, 0)),
        out_shape=jax.ShapeDtypeStruct((N_NODES, D), jnp.float32),
    )(agg, w, degp)


def kernel(x, edge_index, W_connection):
    src = edge_index[0].astype(jnp.int32)
    dst = edge_index[1].astype(jnp.int32)
    pad = EP - N_EDGES
    ar = jnp.arange(pad, dtype=jnp.int32)
    srcp = jnp.concatenate([src, ar % N_NODES])
    dstp = jnp.concatenate([dst, N_NODES + ar % (R - N_NODES)])
    src4 = srcp.reshape(NC, NS, NB, EB)
    dst4 = dstp.reshape(NC, NS, NB, EB)

    xb = x.astype(jnp.bfloat16)
    zacc = jnp.zeros((RP, D), jnp.bfloat16)
    zdeg = jnp.zeros((RP, DW), jnp.float32)
    ones16 = jnp.ones((EB, DW), jnp.float32)

    agg, degp = _sc_aggregate(xb, src4, dst4, zacc, zdeg, ones16)
    return _tc_transport(agg, W_connection, degp)

# --- scband reference (transcript-rebuilt; emitter-appended) ---
"""Pipeline reference for scband-parallel-transport-layer-65352222376296 (READ-ONLY COPY).

The authoritative reference and input builder live on the scoring server;
editing this copy changes nothing except your own understanding.
"""

import jax, jax.numpy as jnp
import numpy as np

N_NODES = 10000
N_EDGES = 160000
D = 256

def setup_inputs(seed: int = 0) -> dict:
    key = jax.random.key(seed)
    k1, k2, k3 = jax.random.split(key, 3)
    x = jax.random.normal(k1, (N_NODES, D), dtype=jnp.float32)
    edge_index = jax.random.randint(k2, (2, N_EDGES), 0, N_NODES, dtype=jnp.int64)
    W_connection = jax.random.normal(k3, (D, D), dtype=jnp.float32)
    return {"x": x, "edge_index": edge_index, "W_connection": W_connection}

def reference(x, edge_index, W_connection):
    src = edge_index[0]
    dst = edge_index[1]
    num_nodes = x.shape[0]
    # parallel transport along edges: gather src features, apply shared connection matrix
    x_src = jnp.take(x, src, axis=0)
    x_transported = x_src @ W_connection.T
    # scatter-add aggregation by destination node
    x_aggregated = jnp.zeros_like(x).at[dst].add(x_transported)
    # degree normalization: deg^{-1/2}, with 0-degree nodes mapped to 0
    deg = jnp.zeros((num_nodes,), dtype=jnp.float32).at[dst].add(1.0)
    deg_inv_sqrt = jnp.where(deg > 0, jax.lax.rsqrt(jnp.maximum(deg, 1.0)), 0.0)
    return x_aggregated * deg_inv_sqrt[:, None]

if __name__ == "__main__":
    import jax
    _d = setup_inputs()
    print(jax.jit(kernel)(*tuple(_d.values())))

</pallas_src>

<mosaic_0001>
#map = affine_map<(d0, d1) -> (0, 0)>
#map1 = affine_map<(d0, d1) -> (0, 0, 0, 0)>
#map2 = affine_map<(d0, d1) -> (0, 0, 0)>
module attributes {stable_mosaic.version = 14 : i64} {
  func.func @body(%arg0: i32, %arg1: i32, %arg2: memref<10000x256xbf16, #tpu.memory_space<hbm>>, %arg3: memref<2x16x40x128xi32, #tpu.memory_space<hbm>>, %arg4: memref<2x16x40x128xi32, #tpu.memory_space<hbm>>, %arg5: memref<632x256xbf16, #tpu.memory_space<hbm>>, %arg6: memref<632x16xf32, #tpu.memory_space<hbm>>, %arg7: memref<128x16xf32, #tpu.memory_space<hbm>>, %arg8: memref<2x10112x256xbf16, #tpu.memory_space<hbm>>, %arg9: memref<2x10112x16xf32, #tpu.memory_space<hbm>>, %arg10: memref<20x128xi32, #tpu.memory_space<vmem>>, %arg11: memref<20x128xi32, #tpu.memory_space<vmem>>, %arg12: memref<128x256xbf16, #tpu.memory_space<vmem>>, %arg13: memref<128x256xbf16, #tpu.memory_space<vmem>>, %arg14: memref<128x16xf32, #tpu.memory_space<vmem>>, %arg15: memref<10112x256xbf16, #tpu.memory_space<vmem_shared>>, %arg16: memref<10112x16xf32, #tpu.memory_space<vmem_shared>>, %arg17: memref<!tpu.dma_semaphore, #tpu.memory_space<semaphore_mem>>, %arg18: memref<!tpu.dma_semaphore, #tpu.memory_space<semaphore_mem>>) attributes {dimension_semantics = [#tpu.dimension_semantics<core_parallel>, #tpu.dimension_semantics<subcore_parallel>], iteration_bounds = array<i64: 2, 16>, scalar_prefetch = 0 : i64, scratch_operands = 9 : i64, tpu.core_type = #tpu.core_type<sc_vector_subcore>, window_params = [{transform_indices = #map}, {transform_indices = #map1}, {transform_indices = #map1}, {transform_indices = #map}, {transform_indices = #map}, {transform_indices = #map}, {transform_indices = #map2}, {transform_indices = #map2}]} {
    "tpu.region"() ({
      %run_scoped3A = tpu.sem_alloc : memref<!tpu.dma_semaphore, #tpu.memory_space<semaphore_mem>>
      %dma_start3A_30 = arith.constant 0 : i32
      %dma_start3A_31 = arith.constant 0 : i32
      %dma_start3A_32 = tpu.memref_slice %arg3[%arg0, %arg1, %dma_start3A_30, %dma_start3A_31] : memref<2x16x40x128xi32, #tpu.memory_space<hbm>> -> memref<1x1x20x128xi32, #tpu.memory_space<hbm>>
      %dma_start3A_33 = tpu.memref_squeeze %dma_start3A_32 : memref<1x1x20x128xi32, #tpu.memory_space<hbm>> -> memref<20x128xi32, #tpu.memory_space<hbm>>
      %dma_start3A_34 = arith.constant 0 : i32
      %dma_start3A_35 = arith.constant 0 : i32
      %dma_start3A_36 = tpu.memref_slice %arg3[%arg0, %arg1, %dma_start3A_34, %dma_start3A_35] : memref<2x16x40x128xi32, #tpu.memory_space<hbm>> -> memref<1x1x20x128xi32, #tpu.memory_space<hbm>>
      %dma_start3A_37 = tpu.memref_squeeze %dma_start3A_36 : memref<1x1x20x128xi32, #tpu.memory_space<hbm>> -> memref<20x128xi32, #tpu.memory_space<hbm>>
      tpu.enqueue_dma source(%dma_start3A_37 : memref<20x128xi32, #tpu.memory_space<hbm>>) target(%arg10 : memref<20x128xi32, #tpu.memory_space<vmem>>) target_semaphore(%run_scoped3A : memref<!tpu.dma_semaphore, #tpu.memory_space<semaphore_mem>>)
      %dma_wait3A = arith.constant 0 : i32
      %dma_wait3A_38 = arith.constant 0 : i32
      %dma_wait3A_39 = tpu.memref_slice %arg3[%arg0, %arg1, %dma_wait3A, %dma_wait3A_38] : memref<2x16x40x128xi32, #tpu.memory_space<hbm>> -> memref<1x1x20x128xi32, #tpu.memory_space<hbm>>
      %dma_wait3A_40 = tpu.memref_squeeze %dma_wait3A_39 : memref<1x1x20x128xi32, #tpu.memory_space<hbm>> -> memref<20x128xi32, #tpu.memory_space<hbm>>
      %dma_wait3A_41 = arith.constant 0 : i32
      %dma_wait3A_42 = arith.constant 0 : i32
      %dma_wait3A_43 = tpu.memref_slice %arg3[%arg0, %arg1, %dma_wait3A_41, %dma_wait3A_42] : memref<2x16x40x128xi32, #tpu.memory_space<hbm>> -> memref<1x1x20x128xi32, #tpu.memory_space<hbm>>
      %dma_wait3A_44 = tpu.memref_squeeze %dma_wait3A_43 : memref<1x1x20x128xi32, #tpu.memory_space<hbm>> -> memref<20x128xi32, #tpu.memory_space<hbm>>
      tpu.wait_dma2 semaphore(%run_scoped3A : memref<!tpu.dma_semaphore, #tpu.memory_space<semaphore_mem>>) src(%dma_wait3A_44 : memref<20x128xi32, #tpu.memory_space<hbm>>) dst(%arg10 : memref<20x128xi32, #tpu.memory_space<vmem>>)
      tpu.yield
    }) : () -> ()
    "tpu.region"() ({
      %run_scoped3A = tpu.sem_alloc : memref<!tpu.dma_semaphore, #tpu.memory_space<semaphore_mem>>
      %dma_start3A_30 = arith.constant 0 : i32
      %dma_start3A_31 = arith.constant 0 : i32
      %dma_start3A_32 = tpu.memref_slice %arg4[%arg0, %arg1, %dma_start3A_30, %dma_start3A_31] : memref<2x16x40x128xi32, #tpu.memory_space<hbm>> -> memref<1x1x20x128xi32, #tpu.memory_space<hbm>>
      %dma_start3A_33 = tpu.memref_squeeze %dma_start3A_32 : memref<1x1x20x128xi32, #tpu.memory_space<hbm>> -> memref<20x128xi32, #tpu.memory_space<hbm>>
      %dma_start3A_34 = arith.constant 0 : i32
      %dma_start3A_35 = arith.constant 0 : i32
      %dma_start3A_36 = tpu.memref_slice %arg4[%arg0, %arg1, %dma_start3A_34, %dma_start3A_35] : memref<2x16x40x128xi32, #tpu.memory_space<hbm>> -> memref<1x1x20x128xi32, #tpu.memory_space<hbm>>
      %dma_start3A_37 = tpu.memref_squeeze %dma_start3A_36 : memref<1x1x20x128xi32, #tpu.memory_space<hbm>> -> memref<20x128xi32, #tpu.memory_space<hbm>>
      tpu.enqueue_dma source(%dma_start3A_37 : memref<20x128xi32, #tpu.memory_space<hbm>>) target(%arg11 : memref<20x128xi32, #tpu.memory_space<vmem>>) target_semaphore(%run_scoped3A : memref<!tpu.dma_semaphore, #tpu.memory_space<semaphore_mem>>)
      %dma_wait3A = arith.constant 0 : i32
      %dma_wait3A_38 = arith.constant 0 : i32
      %dma_wait3A_39 = tpu.memref_slice %arg4[%arg0, %arg1, %dma_wait3A, %dma_wait3A_38] : memref<2x16x40x128xi32, #tpu.memory_space<hbm>> -> memref<1x1x20x128xi32, #tpu.memory_space<hbm>>
      %dma_wait3A_40 = tpu.memref_squeeze %dma_wait3A_39 : memref<1x1x20x128xi32, #tpu.memory_space<hbm>> -> memref<20x128xi32, #tpu.memory_space<hbm>>
      %dma_wait3A_41 = arith.constant 0 : i32
      %dma_wait3A_42 = arith.constant 0 : i32
      %dma_wait3A_43 = tpu.memref_slice %arg4[%arg0, %arg1, %dma_wait3A_41, %dma_wait3A_42] : memref<2x16x40x128xi32, #tpu.memory_space<hbm>> -> memref<1x1x20x128xi32, #tpu.memory_space<hbm>>
      %dma_wait3A_44 = tpu.memref_squeeze %dma_wait3A_43 : memref<1x1x20x128xi32, #tpu.memory_space<hbm>> -> memref<20x128xi32, #tpu.memory_space<hbm>>
      tpu.wait_dma2 semaphore(%run_scoped3A : memref<!tpu.dma_semaphore, #tpu.memory_space<semaphore_mem>>) src(%dma_wait3A_44 : memref<20x128xi32, #tpu.memory_space<hbm>>) dst(%arg11 : memref<20x128xi32, #tpu.memory_space<vmem>>)
      tpu.yield
    }) : () -> ()
    %dma_start3A = arith.constant 0 : i32
    %dma_start3A_0 = arith.constant 0 : i32
    %dma_start3A_1 = tpu.memref_slice %arg10[%dma_start3A, %dma_start3A_0] : memref<20x128xi32, #tpu.memory_space<vmem>> -> memref<1x128xi32, #tpu.memory_space<vmem>>
    %dma_start3A_2 = tpu.memref_squeeze %dma_start3A_1 : memref<1x128xi32, #tpu.memory_space<vmem>> -> memref<128xi32, #tpu.memory_space<vmem>>
    %dma_start3A_3 = arith.constant 0 : i32
    %dma_start3A_4 = arith.constant 0 : i32
    %dma_start3A_5 = tpu.memref_slice %arg2[%dma_start3A_3, %dma_start3A_4] : memref<10000x256xbf16, #tpu.memory_space<hbm>> -> memref<10000x256xbf16, #tpu.memory_space<hbm>>
    tpu.enqueue_indirect_dma source(%dma_start3A_5 : memref<10000x256xbf16, #tpu.memory_space<hbm>>) target(%arg12 : memref<128x256xbf16, #tpu.memory_space<vmem>>) offsets(%dma_start3A_2 : memref<128xi32, #tpu.memory_space<vmem>>) semaphore(%arg17 : memref<!tpu.dma_semaphore, #tpu.memory_space<semaphore_mem>>)
    %dma_start3A_6 = arith.constant 1 : i32
    %dma_start3A_7 = arith.constant 0 : i32
    %dma_start3A_8 = tpu.memref_slice %arg10[%dma_start3A_6, %dma_start3A_7] : memref<20x128xi32, #tpu.memory_space<vmem>> -> memref<1x128xi32, #tpu.memory_space<vmem>>
    %dma_start3A_9 = tpu.memref_squeeze %dma_start3A_8 : memref<1x128xi32, #tpu.memory_space<vmem>> -> memref<128xi32, #tpu.memory_space<vmem>>
    %dma_start3A_10 = arith.constant 0 : i32
    %dma_start3A_11 = arith.constant 0 : i32
    %dma_start3A_12 = tpu.memref_slice %arg2[%dma_start3A_10, %dma_start3A_11] : memref<10000x256xbf16, #tpu.memory_space<hbm>> -> memref<10000x256xbf16, #tpu.memory_space<hbm>>
    tpu.enqueue_indirect_dma source(%dma_start3A_12 : memref<10000x256xbf16, #tpu.memory_space<hbm>>) target(%arg13 : memref<128x256xbf16, #tpu.memory_space<vmem>>) offsets(%dma_start3A_9 : memref<128xi32, #tpu.memory_space<vmem>>) semaphore(%arg18 : memref<!tpu.dma_semaphore, #tpu.memory_space<semaphore_mem>>)
    %mul3A = arith.constant 632 : i32
    %mul3A_13 = arith.muli %arg1, %mul3A : i32
    "tpu.region"() ({
      %run_scoped3A = tpu.sem_alloc : memref<!tpu.dma_semaphore, #tpu.memory_space<semaphore_mem>>
      %dma_start3A_30 = arith.constant 0 : i32
      %dma_start3A_31 = tpu.memref_slice %arg15[%mul3A_13, %dma_start3A_30] : memref<10112x256xbf16, #tpu.memory_space<vmem_shared>> -> memref<632x256xbf16, #tpu.memory_space<vmem_shared>>
      tpu.enqueue_dma source(%arg5 : memref<632x256xbf16, #tpu.memory_space<hbm>>) target(%dma_start3A_31 : memref<632x256xbf16, #tpu.memory_space<vmem_shared>>) target_semaphore(%run_scoped3A : memref<!tpu.dma_semaphore, #tpu.memory_space<semaphore_mem>>)
      %dma_wait3A = arith.constant 0 : i32
      %dma_wait3A_32 = tpu.memref_slice %arg15[%mul3A_13, %dma_wait3A] : memref<10112x256xbf16, #tpu.memory_space<vmem_shared>> -> memref<632x256xbf16, #tpu.memory_space<vmem_shared>>
      tpu.wait_dma2 semaphore(%run_scoped3A : memref<!tpu.dma_semaphore, #tpu.memory_space<semaphore_mem>>) src(%arg5 : memref<632x256xbf16, #tpu.memory_space<hbm>>) dst(%dma_wait3A_32 : memref<632x256xbf16, #tpu.memory_space<vmem_shared>>)
      tpu.yield
    }) : () -> ()
    %mul3A_14 = arith.constant 632 : i32
    %mul3A_15 = arith.muli %arg1, %mul3A_14 : i32
    "tpu.region"() ({
      %run_scoped3A = tpu.sem_alloc : memref<!tpu.dma_semaphore, #tpu.memory_space<semaphore_mem>>
      %dma_start3A_30 = arith.constant 0 : i32
      %dma_start3A_31 = tpu.memref_slice %arg16[%mul3A_15, %dma_start3A_30] : memref<10112x16xf32, #tpu.memory_space<vmem_shared>> -> memref<632x16xf32, #tpu.memory_space<vmem_shared>>
      tpu.enqueue_dma source(%arg6 : memref<632x16xf32, #tpu.memory_space<hbm>>) target(%dma_start3A_31 : memref<632x16xf32, #tpu.memory_space<vmem_shared>>) target_semaphore(%run_scoped3A : memref<!tpu.dma_semaphore, #tpu.memory_space<semaphore_mem>>)
      %dma_wait3A = arith.constant 0 : i32
      %dma_wait3A_32 = tpu.memref_slice %arg16[%mul3A_15, %dma_wait3A] : memref<10112x16xf32, #tpu.memory_space<vmem_shared>> -> memref<632x16xf32, #tpu.memory_space<vmem_shared>>
      tpu.wait_dma2 semaphore(%run_scoped3A : memref<!tpu.dma_semaphore, #tpu.memory_space<semaphore_mem>>) src(%arg6 : memref<632x16xf32, #tpu.memory_space<hbm>>) dst(%dma_wait3A_32 : memref<632x16xf32, #tpu.memory_space<vmem_shared>>)
      tpu.yield
    }) : () -> ()
    "tpu.region"() ({
      %run_scoped3A = tpu.sem_alloc : memref<!tpu.dma_semaphore, #tpu.memory_space<semaphore_mem>>
      tpu.enqueue_dma source(%arg7 : memref<128x16xf32, #tpu.memory_space<hbm>>) target(%arg14 : memref<128x16xf32, #tpu.memory_space<vmem>>) target_semaphore(%run_scoped3A : memref<!tpu.dma_semaphore, #tpu.memory_space<semaphore_mem>>)
      tpu.wait_dma2 semaphore(%run_scoped3A : memref<!tpu.dma_semaphore, #tpu.memory_space<semaphore_mem>>) src(%arg7 : memref<128x16xf32, #tpu.memory_space<hbm>>) dst(%arg14 : memref<128x16xf32, #tpu.memory_space<vmem>>)
      tpu.yield
    }) : () -> ()
    %barrier3A = arith.constant 0 : index
    tpu.barrier barrier_id(%barrier3A)
    %scan3A = arith.constant 0 : i32
    %scan3A_16 = arith.constant 0 : i32
    %scan3A_17 = arith.constant 2 : i32
    %scan3A_18 = arith.addi %scan3A_16, %scan3A_17 : i32
    %scan3A_19 = arith.constant 1 : i32
    scf.for %scan3A_30 = %scan3A_16 to %scan3A_18 step %scan3A_19  : i32 {
      %gt3A = arith.constant 0 : i32
      %gt3A_31 = arith.cmpi sgt, %scan3A_30, %gt3A : i32
      %convert_element_type3A = arith.extui %gt3A_31 : i1 to i32
      %cond3A = arith.constant 0 : i32
      %cond3A_32 = arith.cmpi ne, %convert_element_type3A, %cond3A : i32
      scf.if %cond3A_32 {
        %mul3A_39 = arith.constant 20 : i32
        %mul3A_40 = arith.muli %scan3A_30, %mul3A_39 : i32
        "tpu.region"() ({
          %run_scoped3A = tpu.sem_alloc : memref<!tpu.dma_semaphore, #tpu.memory_space<semaphore_mem>>
          %dma_start3A_57 = arith.constant 0 : i32
          %dma_start3A_58 = tpu.memref_slice %arg3[%arg0, %arg1, %mul3A_40, %dma_start3A_57] : memref<2x16x40x128xi32, #tpu.memory_space<hbm>> -> memref<1x1x20x128xi32, #tpu.memory_space<hbm>>
          %dma_start3A_59 = tpu.memref_squeeze %dma_start3A_58 : memref<1x1x20x128xi32, #tpu.memory_space<hbm>> -> memref<20x128xi32, #tpu.memory_space<hbm>>
          %dma_start3A_60 = arith.constant 0 : i32
          %dma_start3A_61 = tpu.memref_slice %arg3[%arg0, %arg1, %mul3A_40, %dma_start3A_60] : memref<2x16x40x128xi32, #tpu.memory_space<hbm>> -> memref<1x1x20x128xi32, #tpu.memory_space<hbm>>
          %dma_start3A_62 = tpu.memref_squeeze %dma_start3A_61 : memref<1x1x20x128xi32, #tpu.memory_space<hbm>> -> memref<20x128xi32, #tpu.memory_space<hbm>>
          tpu.enqueue_dma source(%dma_start3A_62 : memref<20x128xi32, #tpu.memory_space<hbm>>) target(%arg10 : memref<20x128xi32, #tpu.memory_space<vmem>>) target_semaphore(%run_scoped3A : memref<!tpu.dma_semaphore, #tpu.memory_space<semaphore_mem>>)
          %dma_wait3A = arith.constant 0 : i32
          %dma_wait3A_63 = tpu.memref_slice %arg3[%arg0, %arg1, %mul3A_40, %dma_wait3A] : memref<2x16x40x128xi32, #tpu.memory_space<hbm>> -> memref<1x1x20x128xi32, #tpu.memory_space<hbm>>
          %dma_wait3A_64 = tpu.memref_squeeze %dma_wait3A_63 : memref<1x1x20x128xi32, #tpu.memory_space<hbm>> -> memref<20x128xi32, #tpu.memory_space<hbm>>
          %dma_wait3A_65 = arith.constant 0 : i32
          %dma_wait3A_66 = tpu.memref_slice %arg3[%arg0, %arg1, %mul3A_40, %dma_wait3A_65] : memref<2x16x40x128xi32, #tpu.memory_space<hbm>> -> memref<1x1x20x128xi32, #tpu.memory_space<hbm>>
          %dma_wait3A_67 = tpu.memref_squeeze %dma_wait3A_66 : memref<1x1x20x128xi32, #tpu.memory_space<hbm>> -> memref<20x128xi32, #tpu.memory_space<hbm>>
          tpu.wait_dma2 semaphore(%run_scoped3A : memref<!tpu.dma_semaphore, #tpu.memory_space<semaphore_mem>>) src(%dma_wait3A_67 : memref<20x128xi32, #tpu.memory_space<hbm>>) dst(%arg10 : memref<20x128xi32, #tpu.memory_space<vmem>>)
          tpu.yield
        }) : () -> ()
        %mul3A_41 = arith.constant 20 : i32
        %mul3A_42 = arith.muli %scan3A_30, %mul3A_41 : i32
        "tpu.region"() ({
          %run_scoped3A = tpu.sem_alloc : memref<!tpu.dma_semaphore, #tpu.memory_space<semaphore_mem>>
          %dma_start3A_57 = arith.constant 0 : i32
          %dma_start3A_58 = tpu.memref_slice %arg4[%arg0, %arg1, %mul3A_42, %dma_start3A_57] : memref<2x16x40x128xi32, #tpu.memory_space<hbm>> -> memref<1x1x20x128xi32, #tpu.memory_space<hbm>>
          %dma_start3A_59 = tpu.memref_squeeze %dma_start3A_58 : memref<1x1x20x128xi32, #tpu.memory_space<hbm>> -> memref<20x128xi32, #tpu.memory_space<hbm>>
          %dma_start3A_60 = arith.constant 0 : i32
          %dma_start3A_61 = tpu.memref_slice %arg4[%arg0, %arg1, %mul3A_42, %dma_start3A_60] : memref<2x16x40x128xi32, #tpu.memory_space<hbm>> -> memref<1x1x20x128xi32, #tpu.memory_space<hbm>>
          %dma_start3A_62 = tpu.memref_squeeze %dma_start3A_61 : memref<1x1x20x128xi32, #tpu.memory_space<hbm>> -> memref<20x128xi32, #tpu.memory_space<hbm>>
          tpu.enqueue_dma source(%dma_start3A_62 : memref<20x128xi32, #tpu.memory_space<hbm>>) target(%arg11 : memref<20x128xi32, #tpu.memory_space<vmem>>) target_semaphore(%run_scoped3A : memref<!tpu.dma_semaphore, #tpu.memory_space<semaphore_mem>>)
          %dma_wait3A = arith.constant 0 : i32
          %dma_wait3A_63 = tpu.memref_slice %arg4[%arg0, %arg1, %mul3A_42, %dma_wait3A] : memref<2x16x40x128xi32, #tpu.memory_space<hbm>> -> memref<1x1x20x128xi32, #tpu.memory_space<hbm>>
          %dma_wait3A_64 = tpu.memref_squeeze %dma_wait3A_63 : memref<1x1x20x128xi32, #tpu.memory_space<hbm>> -> memref<20x128xi32, #tpu.memory_space<hbm>>
          %dma_wait3A_65 = arith.constant 0 : i32
          %dma_wait3A_66 = tpu.memref_slice %arg4[%arg0, %arg1, %mul3A_42, %dma_wait3A_65] : memref<2x16x40x128xi32, #tpu.memory_space<hbm>> -> memref<1x1x20x128xi32, #tpu.memory_space<hbm>>
          %dma_wait3A_67 = tpu.memref_squeeze %dma_wait3A_66 : memref<1x1x20x128xi32, #tpu.memory_space<hbm>> -> memref<20x128xi32, #tpu.memory_space<hbm>>
          tpu.wait_dma2 semaphore(%run_scoped3A : memref<!tpu.dma_semaphore, #tpu.memory_space<semaphore_mem>>) src(%dma_wait3A_67 : memref<20x128xi32, #tpu.memory_space<hbm>>) dst(%arg11 : memref<20x128xi32, #tpu.memory_space<vmem>>)
          tpu.yield
        }) : () -> ()
        %dma_start3A_43 = arith.constant 0 : i32
        %dma_start3A_44 = arith.constant 0 : i32
        %dma_start3A_45 = tpu.memref_slice %arg10[%dma_start3A_43, %dma_start3A_44] : memref<20x128xi32, #tpu.memory_space<vmem>> -> memref<1x128xi32, #tpu.memory_space<vmem>>
        %dma_start3A_46 = tpu.memref_squeeze %dma_start3A_45 : memref<1x128xi32, #tpu.memory_space<vmem>> -> memref<128xi32, #tpu.memory_space<vmem>>
        %dma_start3A_47 = arith.constant 0 : i32
        %dma_start3A_48 = arith.constant 0 : i32
        %dma_start3A_49 = tpu.memref_slice %arg2[%dma_start3A_47, %dma_start3A_48] : memref<10000x256xbf16, #tpu.memory_space<hbm>> -> memref<10000x256xbf16, #tpu.memory_space<hbm>>
        tpu.enqueue_indirect_dma source(%dma_start3A_49 : memref<10000x256xbf16, #tpu.memory_space<hbm>>) target(%arg12 : memref<128x256xbf16, #tpu.memory_space<vmem>>) offsets(%dma_start3A_46 : memref<128xi32, #tpu.memory_space<vmem>>) semaphore(%arg17 : memref<!tpu.dma_semaphore, #tpu.memory_space<semaphore_mem>>)
        %dma_start3A_50 = arith.constant 1 : i32
        %dma_start3A_51 = arith.constant 0 : i32
        %dma_start3A_52 = tpu.memref_slice %arg10[%dma_start3A_50, %dma_start3A_51] : memref<20x128xi32, #tpu.memory_space<vmem>> -> memref<1x128xi32, #tpu.memory_space<vmem>>
        %dma_start3A_53 = tpu.memref_squeeze %dma_start3A_52 : memref<1x128xi32, #tpu.memory_space<vmem>> -> memref<128xi32, #tpu.memory_space<vmem>>
        %dma_start3A_54 = arith.constant 0 : i32
        %dma_start3A_55 = arith.constant 0 : i32
        %dma_start3A_56 = tpu.memref_slice %arg2[%dma_start3A_54, %dma_start3A_55] : memref<10000x256xbf16, #tpu.memory_space<hbm>> -> memref<10000x256xbf16, #tpu.memory_space<hbm>>
        tpu.enqueue_indirect_dma source(%dma_start3A_56 : memref<10000x256xbf16, #tpu.memory_space<hbm>>) target(%arg13 : memref<128x256xbf16, #tpu.memory_space<vmem>>) offsets(%dma_start3A_53 : memref<128xi32, #tpu.memory_space<vmem>>) semaphore(%arg18 : memref<!tpu.dma_semaphore, #tpu.memory_space<semaphore_mem>>)
      } else {
      }
      %scan3A_33 = arith.constant 0 : i32
      %scan3A_34 = arith.constant 0 : i32
      %scan3A_35 = arith.constant 10 : i32
      %scan3A_36 = arith.addi %scan3A_34, %scan3A_35 : i32
      %scan3A_37 = arith.constant 1 : i32
      scf.for %scan3A_39 = %scan3A_34 to %scan3A_36 step %scan3A_37  : i32 {
        %mul3A_40 = arith.constant 2 : i32
        %mul3A_41 = arith.muli %mul3A_40, %scan3A_39 : i32
        %ge3A = arith.constant 9 : i32
        %ge3A_42 = arith.cmpi sge, %scan3A_39, %ge3A : i32
        %dma_wait3A = arith.constant 0 : i32
        %dma_wait3A_43 = tpu.memref_slice %arg10[%mul3A_41, %dma_wait3A] : memref<20x128xi32, #tpu.memory_space<vmem>> -> memref<1x128xi32, #tpu.memory_space<vmem>>
        %dma_wait3A_44 = tpu.memref_squeeze %dma_wait3A_43 : memref<1x128xi32, #tpu.memory_space<vmem>> -> memref<128xi32, #tpu.memory_space<vmem>>
        %dma_wait3A_45 = arith.constant 0 : i32
        %dma_wait3A_46 = arith.constant 0 : i32
        %dma_wait3A_47 = tpu.memref_slice %arg2[%dma_wait3A_45, %dma_wait3A_46] : memref<10000x256xbf16, #tpu.memory_space<hbm>> -> memref<10000x256xbf16, #tpu.memory_space<hbm>>
        tpu.wait_indirect_dma semaphore(%arg17 : memref<!tpu.dma_semaphore, #tpu.memory_space<semaphore_mem>>) src(%dma_wait3A_47 : memref<10000x256xbf16, #tpu.memory_space<hbm>>) dst(%arg12 : memref<128x256xbf16, #tpu.memory_space<vmem>>)
        "tpu.region"() ({
          %run_scoped3A = tpu.sem_alloc : memref<!tpu.dma_semaphore, #tpu.memory_space<semaphore_mem>>
          %dma_start3A_68 = arith.constant 0 : i32
          %dma_start3A_69 = tpu.memref_slice %arg11[%mul3A_41, %dma_start3A_68] : memref<20x128xi32, #tpu.memory_space<vmem>> -> memref<1x128xi32, #tpu.memory_space<vmem>>
          %dma_start3A_70 = tpu.memref_squeeze %dma_start3A_69 : memref<1x128xi32, #tpu.memory_space<vmem>> -> memref<128xi32, #tpu.memory_space<vmem>>
          %dma_start3A_71 = arith.constant 0 : i32
          %dma_start3A_72 = arith.constant 0 : i32
          %dma_start3A_73 = tpu.memref_slice %arg15[%dma_start3A_71, %dma_start3A_72] : memref<10112x256xbf16, #tpu.memory_space<vmem_shared>> -> memref<10112x256xbf16, #tpu.memory_space<vmem_shared>>
          tpu.enqueue_indirect_dma source(%arg12 : memref<128x256xbf16, #tpu.memory_space<vmem>>) target(%dma_start3A_73 : memref<10112x256xbf16, #tpu.memory_space<vmem_shared>>) offsets(%dma_start3A_70 : memref<128xi32, #tpu.memory_space<vmem>>) semaphore(%run_scoped3A : memref<!tpu.dma_semaphore, #tpu.memory_space<semaphore_mem>>) {add = true}
          %dma_wait3A_74 = arith.constant 0 : i32
          %dma_wait3A_75 = tpu.memref_slice %arg11[%mul3A_41, %dma_wait3A_74] : memref<20x128xi32, #tpu.memory_space<vmem>> -> memref<1x128xi32, #tpu.memory_space<vmem>>
          %dma_wait3A_76 = tpu.memref_squeeze %dma_wait3A_75 : memref<1x128xi32, #tpu.memory_space<vmem>> -> memref<128xi32, #tpu.memory_space<vmem>>
          %dma_wait3A_77 = arith.constant 0 : i32
          %dma_wait3A_78 = arith.constant 0 : i32
          %dma_wait3A_79 = tpu.memref_slice %arg15[%dma_wait3A_77, %dma_wait3A_78] : memref<10112x256xbf16, #tpu.memory_space<vmem_shared>> -> memref<10112x256xbf16, #tpu.memory_space<vmem_shared>>
          tpu.wait_indirect_dma semaphore(%run_scoped3A : memref<!tpu.dma_semaphore, #tpu.memory_space<semaphore_mem>>) src(%arg12 : memref<128x256xbf16, #tpu.memory_space<vmem>>) dst(%dma_wait3A_79 : memref<10112x256xbf16, #tpu.memory_space<vmem_shared>>)
          tpu.yield
        }) : () -> ()
        "tpu.region"() ({
          %run_scoped3A = tpu.sem_alloc : memref<!tpu.dma_semaphore, #tpu.memory_space<semaphore_mem>>
          %dma_start3A_68 = arith.constant 0 : i32
          %dma_start3A_69 = tpu.memref_slice %arg11[%mul3A_41, %dma_start3A_68] : memref<20x128xi32, #tpu.memory_space<vmem>> -> memref<1x128xi32, #tpu.memory_space<vmem>>
          %dma_start3A_70 = tpu.memref_squeeze %dma_start3A_69 : memref<1x128xi32, #tpu.memory_space<vmem>> -> memref<128xi32, #tpu.memory_space<vmem>>
          %dma_start3A_71 = arith.constant 0 : i32
          %dma_start3A_72 = arith.constant 0 : i32
          %dma_start3A_73 = tpu.memref_slice %arg16[%dma_start3A_71, %dma_start3A_72] : memref<10112x16xf32, #tpu.memory_space<vmem_shared>> -> memref<10112x16xf32, #tpu.memory_space<vmem_shared>>
          tpu.enqueue_indirect_dma source(%arg14 : memref<128x16xf32, #tpu.memory_space<vmem>>) target(%dma_start3A_73 : memref<10112x16xf32, #tpu.memory_space<vmem_shared>>) offsets(%dma_start3A_70 : memref<128xi32, #tpu.memory_space<vmem>>) semaphore(%run_scoped3A : memref<!tpu.dma_semaphore, #tpu.memory_space<semaphore_mem>>) {add = true}
          %dma_wait3A_74 = arith.constant 0 : i32
          %dma_wait3A_75 = tpu.memref_slice %arg11[%mul3A_41, %dma_wait3A_74] : memref<20x128xi32, #tpu.memory_space<vmem>> -> memref<1x128xi32, #tpu.memory_space<vmem>>
          %dma_wait3A_76 = tpu.memref_squeeze %dma_wait3A_75 : memref<1x128xi32, #tpu.memory_space<vmem>> -> memref<128xi32, #tpu.memory_space<vmem>>
          %dma_wait3A_77 = arith.constant 0 : i32
          %dma_wait3A_78 = arith.constant 0 : i32
          %dma_wait3A_79 = tpu.memref_slice %arg16[%dma_wait3A_77, %dma_wait3A_78] : memref<10112x16xf32, #tpu.memory_space<vmem_shared>> -> memref<10112x16xf32, #tpu.memory_space<vmem_shared>>
          tpu.wait_indirect_dma semaphore(%run_scoped3A : memref<!tpu.dma_semaphore, #tpu.memory_space<semaphore_mem>>) src(%arg14 : memref<128x16xf32, #tpu.memory_space<vmem>>) dst(%dma_wait3A_79 : memref<10112x16xf32, #tpu.memory_space<vmem_shared>>)
          tpu.yield
        }) : () -> ()
        %not3A = arith.constant true
        %not3A_48 = arith.xori %ge3A_42, %not3A : i1
        %convert_element_type3A_49 = arith.extui %not3A_48 : i1 to i32
        %cond3A_50 = arith.constant 0 : i32
        %cond3A_51 = arith.cmpi ne, %convert_element_type3A_49, %cond3A_50 : i32
        scf.if %cond3A_51 {
          %add3A_68 = arith.constant 2 : i32
          %add3A_69 = arith.addi %mul3A_41, %add3A_68 : i32
          %dma_start3A_70 = arith.constant 0 : i32
          %dma_start3A_71 = tpu.memref_slice %arg10[%add3A_69, %dma_start3A_70] : memref<20x128xi32, #tpu.memory_space<vmem>> -> memref<1x128xi32, #tpu.memory_space<vmem>>
          %dma_start3A_72 = tpu.memref_squeeze %dma_start3A_71 : memref<1x128xi32, #tpu.memory_space<vmem>> -> memref<128xi32, #tpu.memory_space<vmem>>
          %dma_start3A_73 = arith.constant 0 : i32
          %dma_start3A_74 = arith.constant 0 : i32
          %dma_start3A_75 = tpu.memref_slice %arg2[%dma_start3A_73, %dma_start3A_74] : memref<10000x256xbf16, #tpu.memory_space<hbm>> -> memref<10000x256xbf16, #tpu.memory_space<hbm>>
          tpu.enqueue_indirect_dma source(%dma_start3A_75 : memref<10000x256xbf16, #tpu.memory_space<hbm>>) target(%arg12 : memref<128x256xbf16, #tpu.memory_space<vmem>>) offsets(%dma_start3A_72 : memref<128xi32, #tpu.memory_space<vmem>>) semaphore(%arg17 : memref<!tpu.dma_semaphore, #tpu.memory_space<semaphore_mem>>)
        } else {
        }
        %add3A = arith.constant 1 : i32
        %add3A_52 = arith.addi %mul3A_41, %add3A : i32
        %dma_wait3A_53 = arith.constant 0 : i32
        %dma_wait3A_54 = tpu.memref_slice %arg10[%add3A_52, %dma_wait3A_53] : memref<20x128xi32, #tpu.memory_space<vmem>> -> memref<1x128xi32, #tpu.memory_space<vmem>>
        %dma_wait3A_55 = tpu.memref_squeeze %dma_wait3A_54 : memref<1x128xi32, #tpu.memory_space<vmem>> -> memref<128xi32, #tpu.memory_space<vmem>>
        %dma_wait3A_56 = arith.constant 0 : i32
        %dma_wait3A_57 = arith.constant 0 : i32
        %dma_wait3A_58 = tpu.memref_slice %arg2[%dma_wait3A_56, %dma_wait3A_57] : memref<10000x256xbf16, #tpu.memory_space<hbm>> -> memref<10000x256xbf16, #tpu.memory_space<hbm>>
        tpu.wait_indirect_dma semaphore(%arg18 : memref<!tpu.dma_semaphore, #tpu.memory_space<semaphore_mem>>) src(%dma_wait3A_58 : memref<10000x256xbf16, #tpu.memory_space<hbm>>) dst(%arg13 : memref<128x256xbf16, #tpu.memory_space<vmem>>)
        %add3A_59 = arith.constant 1 : i32
        %add3A_60 = arith.addi %mul3A_41, %add3A_59 : i32
        "tpu.region"() ({
          %run_scoped3A = tpu.sem_alloc : memref<!tpu.dma_semaphore, #tpu.memory_space<semaphore_mem>>
          %dma_start3A_68 = arith.constant 0 : i32
          %dma_start3A_69 = tpu.memref_slice %arg11[%add3A_60, %dma_start3A_68] : memref<20x128xi32, #tpu.memory_space<vmem>> -> memref<1x128xi32, #tpu.memory_space<vmem>>
          %dma_start3A_70 = tpu.memref_squeeze %dma_start3A_69 : memref<1x128xi32, #tpu.memory_space<vmem>> -> memref<128xi32, #tpu.memory_space<vmem>>
          %dma_start3A_71 = arith.constant 0 : i32
          %dma_start3A_72 = arith.constant 0 : i32
          %dma_start3A_73 = tpu.memref_slice %arg15[%dma_start3A_71, %dma_start3A_72] : memref<10112x256xbf16, #tpu.memory_space<vmem_shared>> -> memref<10112x256xbf16, #tpu.memory_space<vmem_shared>>
          tpu.enqueue_indirect_dma source(%arg13 : memref<128x256xbf16, #tpu.memory_space<vmem>>) target(%dma_start3A_73 : memref<10112x256xbf16, #tpu.memory_space<vmem_shared>>) offsets(%dma_start3A_70 : memref<128xi32, #tpu.memory_space<vmem>>) semaphore(%run_scoped3A : memref<!tpu.dma_semaphore, #tpu.memory_space<semaphore_mem>>) {add = true}
          %dma_wait3A_74 = arith.constant 0 : i32
          %dma_wait3A_75 = tpu.memref_slice %arg11[%add3A_60, %dma_wait3A_74] : memref<20x128xi32, #tpu.memory_space<vmem>> -> memref<1x128xi32, #tpu.memory_space<vmem>>
          %dma_wait3A_76 = tpu.memref_squeeze %dma_wait3A_75 : memref<1x128xi32, #tpu.memory_space<vmem>> -> memref<128xi32, #tpu.memory_space<vmem>>
          %dma_wait3A_77 = arith.constant 0 : i32
          %dma_wait3A_78 = arith.constant 0 : i32
          %dma_wait3A_79 = tpu.memref_slice %arg15[%dma_wait3A_77, %dma_wait3A_78] : memref<10112x256xbf16, #tpu.memory_space<vmem_shared>> -> memref<10112x256xbf16, #tpu.memory_space<vmem_shared>>
          tpu.wait_indirect_dma semaphore(%run_scoped3A : memref<!tpu.dma_semaphore, #tpu.memory_space<semaphore_mem>>) src(%arg13 : memref<128x256xbf16, #tpu.memory_space<vmem>>) dst(%dma_wait3A_79 : memref<10112x256xbf16, #tpu.memory_space<vmem_shared>>)
          tpu.yield
        }) : () -> ()
        %add3A_61 = arith.constant 1 : i32
        %add3A_62 = arith.addi %mul3A_41, %add3A_61 : i32
        "tpu.region"() ({
          %run_scoped3A = tpu.sem_alloc : memref<!tpu.dma_semaphore, #tpu.memory_space<semaphore_mem>>
          %dma_start3A_68 = arith.constant 0 : i32
          %dma_start3A_69 = tpu.memref_slice %arg11[%add3A_62, %dma_start3A_68] : memref<20x128xi32, #tpu.memory_space<vmem>> -> memref<1x128xi32, #tpu.memory_space<vmem>>
          %dma_start3A_70 = tpu.memref_squeeze %dma_start3A_69 : memref<1x128xi32, #tpu.memory_space<vmem>> -> memref<128xi32, #tpu.memory_space<vmem>>
          %dma_start3A_71 = arith.constant 0 : i32
          %dma_start3A_72 = arith.constant 0 : i32
          %dma_start3A_73 = tpu.memref_slice %arg16[%dma_start3A_71, %dma_start3A_72] : memref<10112x16xf32, #tpu.memory_space<vmem_shared>> -> memref<10112x16xf32, #tpu.memory_space<vmem_shared>>
          tpu.enqueue_indirect_dma source(%arg14 : memref<128x16xf32, #tpu.memory_space<vmem>>) target(%dma_start3A_73 : memref<10112x16xf32, #tpu.memory_space<vmem_shared>>) offsets(%dma_start3A_70 : memref<128xi32, #tpu.memory_space<vmem>>) semaphore(%run_scoped3A : memref<!tpu.dma_semaphore, #tpu.memory_space<semaphore_mem>>) {add = true}
          %dma_wait3A_74 = arith.constant 0 : i32
          %dma_wait3A_75 = tpu.memref_slice %arg11[%add3A_62, %dma_wait3A_74] : memref<20x128xi32, #tpu.memory_space<vmem>> -> memref<1x128xi32, #tpu.memory_space<vmem>>
          %dma_wait3A_76 = tpu.memref_squeeze %dma_wait3A_75 : memref<1x128xi32, #tpu.memory_space<vmem>> -> memref<128xi32, #tpu.memory_space<vmem>>
          %dma_wait3A_77 = arith.constant 0 : i32
          %dma_wait3A_78 = arith.constant 0 : i32
          %dma_wait3A_79 = tpu.memref_slice %arg16[%dma_wait3A_77, %dma_wait3A_78] : memref<10112x16xf32, #tpu.memory_space<vmem_shared>> -> memref<10112x16xf32, #tpu.memory_space<vmem_shared>>
          tpu.wait_indirect_dma semaphore(%run_scoped3A : memref<!tpu.dma_semaphore, #tpu.memory_space<semaphore_mem>>) src(%arg14 : memref<128x16xf32, #tpu.memory_space<vmem>>) dst(%dma_wait3A_79 : memref<10112x16xf32, #tpu.memory_space<vmem_shared>>)
          tpu.yield
        }) : () -> ()
        %not3A_63 = arith.constant true
        %not3A_64 = arith.xori %ge3A_42, %not3A_63 : i1
        %convert_element_type3A_65 = arith.extui %not3A_64 : i1 to i32
        %cond3A_66 = arith.constant 0 : i32
        %cond3A_67 = arith.cmpi ne, %convert_element_type3A_65, %cond3A_66 : i32
        scf.if %cond3A_67 {
          %add3A_68 = arith.constant 3 : i32
          %add3A_69 = arith.addi %mul3A_41, %add3A_68 : i32
          %dma_start3A_70 = arith.constant 0 : i32
          %dma_start3A_71 = tpu.memref_slice %arg10[%add3A_69, %dma_start3A_70] : memref<20x128xi32, #tpu.memory_space<vmem>> -> memref<1x128xi32, #tpu.memory_space<vmem>>
          %dma_start3A_72 = tpu.memref_squeeze %dma_start3A_71 : memref<1x128xi32, #tpu.memory_space<vmem>> -> memref<128xi32, #tpu.memory_space<vmem>>
          %dma_start3A_73 = arith.constant 0 : i32
          %dma_start3A_74 = arith.constant 0 : i32
          %dma_start3A_75 = tpu.memref_slice %arg2[%dma_start3A_73, %dma_start3A_74] : memref<10000x256xbf16, #tpu.memory_space<hbm>> -> memref<10000x256xbf16, #tpu.memory_space<hbm>>
          tpu.enqueue_indirect_dma source(%dma_start3A_75 : memref<10000x256xbf16, #tpu.memory_space<hbm>>) target(%arg13 : memref<128x256xbf16, #tpu.memory_space<vmem>>) offsets(%dma_start3A_72 : memref<128xi32, #tpu.memory_space<vmem>>) semaphore(%arg18 : memref<!tpu.dma_semaphore, #tpu.memory_space<semaphore_mem>>)
        } else {
        }
      }
      %scan3A_38 = arith.constant 10 : i32
    }
    %scan3A_20 = arith.constant 2 : i32
    %barrier3A_21 = arith.constant 0 : index
    tpu.barrier barrier_id(%barrier3A_21)
    %mul3A_22 = arith.constant 632 : i32
    %mul3A_23 = arith.muli %arg1, %mul3A_22 : i32
    %mul3A_24 = arith.constant 632 : i32
    %mul3A_25 = arith.muli %arg1, %mul3A_24 : i32
    "tpu.region"() ({
      %run_scoped3A = tpu.sem_alloc : memref<!tpu.dma_semaphore, #tpu.memory_space<semaphore_mem>>
      %dma_start3A_30 = arith.constant 0 : i32
      %dma_start3A_31 = arith.constant 0 : i32
      %dma_start3A_32 = tpu.memref_slice %arg8[%arg0, %dma_start3A_30, %dma_start3A_31] : memref<2x10112x256xbf16, #tpu.memory_space<hbm>> -> memref<1x10112x256xbf16, #tpu.memory_space<hbm>>
      %dma_start3A_33 = tpu.memref_squeeze %dma_start3A_32 : memref<1x10112x256xbf16, #tpu.memory_space<hbm>> -> memref<10112x256xbf16, #tpu.memory_space<hbm>>
      %dma_start3A_34 = arith.constant 0 : i32
      %dma_start3A_35 = tpu.memref_slice %dma_start3A_33[%mul3A_25, %dma_start3A_34] : memref<10112x256xbf16, #tpu.memory_space<hbm>> -> memref<632x256xbf16, #tpu.memory_space<hbm>>
      %dma_start3A_36 = arith.constant 0 : i32
      %dma_start3A_37 = tpu.memref_slice %arg15[%mul3A_23, %dma_start3A_36] : memref<10112x256xbf16, #tpu.memory_space<vmem_shared>> -> memref<632x256xbf16, #tpu.memory_space<vmem_shared>>
      tpu.enqueue_dma source(%dma_start3A_37 : memref<632x256xbf16, #tpu.memory_space<vmem_shared>>) target(%dma_start3A_35 : memref<632x256xbf16, #tpu.memory_space<hbm>>) target_semaphore(%run_scoped3A : memref<!tpu.dma_semaphore, #tpu.memory_space<semaphore_mem>>)
      %dma_wait3A = arith.constant 0 : i32
      %dma_wait3A_38 = arith.constant 0 : i32
      %dma_wait3A_39 = tpu.memref_slice %arg8[%arg0, %dma_wait3A, %dma_wait3A_38] : memref<2x10112x256xbf16, #tpu.memory_space<hbm>> -> memref<1x10112x256xbf16, #tpu.memory_space<hbm>>
      %dma_wait3A_40 = tpu.memref_squeeze %dma_wait3A_39 : memref<1x10112x256xbf16, #tpu.memory_space<hbm>> -> memref<10112x256xbf16, #tpu.memory_space<hbm>>
      %dma_wait3A_41 = arith.constant 0 : i32
      %dma_wait3A_42 = tpu.memref_slice %dma_wait3A_40[%mul3A_25, %dma_wait3A_41] : memref<10112x256xbf16, #tpu.memory_space<hbm>> -> memref<632x256xbf16, #tpu.memory_space<hbm>>
      %dma_wait3A_43 = arith.constant 0 : i32
      %dma_wait3A_44 = tpu.memref_slice %arg15[%mul3A_23, %dma_wait3A_43] : memref<10112x256xbf16, #tpu.memory_space<vmem_shared>> -> memref<632x256xbf16, #tpu.memory_space<vmem_shared>>
      tpu.wait_dma2 semaphore(%run_scoped3A : memref<!tpu.dma_semaphore, #tpu.memory_space<semaphore_mem>>) src(%dma_wait3A_44 : memref<632x256xbf16, #tpu.memory_space<vmem_shared>>) dst(%dma_wait3A_42 : memref<632x256xbf16, #tpu.memory_space<hbm>>)
      tpu.yield
    }) : () -> ()
    %mul3A_26 = arith.constant 632 : i32
    %mul3A_27 = arith.muli %arg1, %mul3A_26 : i32
    %mul3A_28 = arith.constant 632 : i32
    %mul3A_29 = arith.muli %arg1, %mul3A_28 : i32
    "tpu.region"() ({
      %run_scoped3A = tpu.sem_alloc : memref<!tpu.dma_semaphore, #tpu.memory_space<semaphore_mem>>
      %dma_start3A_30 = arith.constant 0 : i32
      %dma_start3A_31 = arith.constant 0 : i32
      %dma_start3A_32 = tpu.memref_slice %arg9[%arg0, %dma_start3A_30, %dma_start3A_31] : memref<2x10112x16xf32, #tpu.memory_space<hbm>> -> memref<1x10112x16xf32, #tpu.memory_space<hbm>>
      %dma_start3A_33 = tpu.memref_squeeze %dma_start3A_32 : memref<1x10112x16xf32, #tpu.memory_space<hbm>> -> memref<10112x16xf32, #tpu.memory_space<hbm>>
      %dma_start3A_34 = arith.constant 0 : i32
      %dma_start3A_35 = tpu.memref_slice %dma_start3A_33[%mul3A_29, %dma_start3A_34] : memref<10112x16xf32, #tpu.memory_space<hbm>> -> memref<632x16xf32, #tpu.memory_space<hbm>>
      %dma_start3A_36 = arith.constant 0 : i32
      %dma_start3A_37 = tpu.memref_slice %arg16[%mul3A_27, %dma_start3A_36] : memref<10112x16xf32, #tpu.memory_space<vmem_shared>> -> memref<632x16xf32, #tpu.memory_space<vmem_shared>>
      tpu.enqueue_dma source(%dma_start3A_37 : memref<632x16xf32, #tpu.memory_space<vmem_shared>>) target(%dma_start3A_35 : memref<632x16xf32, #tpu.memory_space<hbm>>) target_semaphore(%run_scoped3A : memref<!tpu.dma_semaphore, #tpu.memory_space<semaphore_mem>>)
      %dma_wait3A = arith.constant 0 : i32
      %dma_wait3A_38 = arith.constant 0 : i32
      %dma_wait3A_39 = tpu.memref_slice %arg9[%arg0, %dma_wait3A, %dma_wait3A_38] : memref<2x10112x16xf32, #tpu.memory_space<hbm>> -> memref<1x10112x16xf32, #tpu.memory_space<hbm>>
      %dma_wait3A_40 = tpu.memref_squeeze %dma_wait3A_39 : memref<1x10112x16xf32, #tpu.memory_space<hbm>> -> memref<10112x16xf32, #tpu.memory_space<hbm>>
      %dma_wait3A_41 = arith.constant 0 : i32
      %dma_wait3A_42 = tpu.memref_slice %dma_wait3A_40[%mul3A_29, %dma_wait3A_41] : memref<10112x16xf32, #tpu.memory_space<hbm>> -> memref<632x16xf32, #tpu.memory_space<hbm>>
      %dma_wait3A_43 = arith.constant 0 : i32
      %dma_wait3A_44 = tpu.memref_slice %arg16[%mul3A_27, %dma_wait3A_43] : memref<10112x16xf32, #tpu.memory_space<vmem_shared>> -> memref<632x16xf32, #tpu.memory_space<vmem_shared>>
      tpu.wait_dma2 semaphore(%run_scoped3A : memref<!tpu.dma_semaphore, #tpu.memory_space<semaphore_mem>>) src(%dma_wait3A_44 : memref<632x16xf32, #tpu.memory_space<vmem_shared>>) dst(%dma_wait3A_42 : memref<632x16xf32, #tpu.memory_space<hbm>>)
      tpu.yield
    }) : () -> ()
    return
  }
}

module attributes {stable_mosaic.version = 14 : i64} {
  func.func @tc_body(%arg0: i32, %arg1: memref<2x1000x256xbf16, #tpu.memory_space<vmem>>, %arg2: memref<256x256xf32, #tpu.memory_space<vmem>>, %arg3: memref<2x1000x16xf32, #tpu.memory_space<vmem>>, %arg4: memref<1000x256xf32, #tpu.memory_space<vmem>>) attributes {dimension_semantics = [#tpu.dimension_semantics<arbitrary>], iteration_bounds = array<i64: 10>, scalar_prefetch = 0 : i64, scratch_operands = 0 : i64, tpu.core_type = #tpu.core_type<tc>, window_params = [{transform_indices = @transform_0, window_bounds = array<i64: 2, 1000, 256>}, {pipeline_mode = #tpu.pipeline_mode<synchronous>, transform_indices = @transform_1, window_bounds = array<i64: 256, 256>}, {transform_indices = @transform_2, window_bounds = array<i64: 2, 1000, 16>}, {transform_indices = @transform_3, window_bounds = array<i64: 1000, 256>}]} {
    %get3A = arith.constant 0 : index
    %get3A_0 = arith.constant 0 : index
    %get3A_1 = arith.constant 0 : index
    %get3A_2 = vector.load %arg1[%get3A, %get3A_0, %get3A_1] : memref<2x1000x256xbf16, #tpu.memory_space<vmem>>, vector<1x1000x256xbf16>
    %get3A_3 = vector.shape_cast %get3A_2 : vector<1x1000x256xbf16> to vector<1000x256xbf16>
    %convert_element_type3A = arith.extf %get3A_3 : vector<1000x256xbf16> to vector<1000x256xf32>
    %get3A_4 = arith.constant 1 : index
    %get3A_5 = arith.constant 0 : index
    %get3A_6 = arith.constant 0 : index
    %get3A_7 = vector.load %arg1[%get3A_4, %get3A_5, %get3A_6] : memref<2x1000x256xbf16, #tpu.memory_space<vmem>>, vector<1x1000x256xbf16>
    %get3A_8 = vector.shape_cast %get3A_7 : vector<1x1000x256xbf16> to vector<1000x256xbf16>
    %convert_element_type3A_9 = arith.extf %get3A_8 : vector<1000x256xbf16> to vector<1000x256xf32>
    %add3A = arith.addf %convert_element_type3A, %convert_element_type3A_9 : vector<1000x256xf32>
    %get3A_10 = arith.constant 0 : index
    %get3A_11 = arith.constant 0 : index
    %get3A_12 = vector.load %arg2[%get3A_10, %get3A_11] : memref<256x256xf32, #tpu.memory_space<vmem>>, vector<256x256xf32>
    %dot_general3A = arith.constant dense<0.000000e+00> : vector<1000x256xf32>
    %dot_general3A_13 = tpu.matmul %add3A, %get3A_12, %dot_general3A {dimension_numbers = #tpu.dot_dimension_numbers<[1], [1], [0], [0], [0, 0, 1, 0], [], []>, transpose_lhs_hint = false} : vector<1000x256xf32>, vector<256x256xf32>, vector<1000x256xf32> -> vector<1000x256xf32>
    %get3A_14 = arith.constant 0 : index
    %get3A_15 = arith.constant 0 : index
    %get3A_16 = arith.constant 0 : index
    %get3A_17 = vector.load %arg3[%get3A_14, %get3A_15, %get3A_16] : memref<2x1000x16xf32, #tpu.memory_space<vmem>>, vector<1x1000x1xf32>
    %get3A_18 = vector.shape_cast %get3A_17 : vector<1x1000x1xf32> to vector<1000x1xf32>
    %get3A_19 = arith.constant 1 : index
    %get3A_20 = arith.constant 0 : index
    %get3A_21 = arith.constant 0 : index
    %get3A_22 = vector.load %arg3[%get3A_19, %get3A_20, %get3A_21] : memref<2x1000x16xf32, #tpu.memory_space<vmem>>, vector<1x1000x1xf32>
    %get3A_23 = vector.shape_cast %get3A_22 : vector<1x1000x1xf32> to vector<1000x1xf32>
    %add3A_24 = arith.addf %get3A_18, %get3A_23 : vector<1000x1xf32>
    %gt3A = arith.constant 0.000000e+00 : f32
    %gt3A_25 = vector.broadcast %gt3A : f32 to vector<1000x1xf32>
    %gt3A_26 = arith.cmpf ogt, %add3A_24, %gt3A_25 : vector<1000x1xf32>
    %max3A = arith.constant 1.000000e+00 : f32
    %max3A_27 = vector.broadcast %max3A : f32 to vector<1000x1xf32>
    %max3A_28 = arith.maximumf %add3A_24, %max3A_27 : vector<1000x1xf32>
    %rsqrt3A = math.rsqrt %max3A_28 : vector<1000x1xf32>
    %jit3A = arith.constant 0.000000e+00 : f32
    %broadcast_in_dim3A = vector.broadcast %jit3A : f32 to vector<1000x1xf32>
    %select_n3A = arith.select %gt3A_26, %rsqrt3A, %broadcast_in_dim3A : vector<1000x1xi1>, vector<1000x1xf32>
    %mul3A = vector.broadcast %select_n3A : vector<1000x1xf32> to vector<1000x256xf32>
    %mul3A_29 = arith.mulf %dot_general3A_13, %mul3A : vector<1000x256xf32>
    %swap3A = arith.constant 0 : index
    %swap3A_30 = arith.constant 0 : index
    %swap3A_31 = vector.load %arg4[%swap3A, %swap3A_30] : memref<1000x256xf32, #tpu.memory_space<vmem>>, vector<1000x256xf32>
    tpu.vector_store %arg4[%swap3A, %swap3A_30], %mul3A_29 {strides = array<i32>} : memref<1000x256xf32, #tpu.memory_space<vmem>>, vector<1000x256xf32>,
    return
  }
  func.func @transform_0(%arg0: i32) -> (i32, i32, i32) {
    %c0_i32 = arith.constant 0 : i32
    %c0_i32_0 = arith.constant 0 : i32
    %c0_i32_1 = arith.constant 0 : i32
    return %c0_i32, %arg0, %c0_i32_0 : i32, i32, i32
  }
  func.func @transform_1(%arg0: i32) -> (i32, i32) {
    %c0_i32 = arith.constant 0 : i32
    %c0_i32_0 = arith.constant 0 : i32
    %c0_i32_1 = arith.constant 0 : i32
    return %c0_i32, %c0_i32_0 : i32, i32
  }
  func.func @transform_2(%arg0: i32) -> (i32, i32, i32) {
    %c0_i32 = arith.constant 0 : i32
    %c0_i32_0 = arith.constant 0 : i32
    %c0_i32_1 = arith.constant 0 : i32
    return %c0_i32, %arg0, %c0_i32_0 : i32, i32, i32
  }
  func.func @transform_3(%arg0: i32) -> (i32, i32) {
    %c0_i32 = arith.constant 0 : i32
    %c0_i32_0 = arith.constant 0 : i32
    return %arg0, %c0_i32 : i32, i32
  }
}

</mosaic_0001>

<sc_bundles>
// kernel: kernel.4.cloned.1.call-start
scs
__scs_entry_jumppad:
0x0: {  	(pc) =	sbr.rel $0x88, $3  }
0x1: {  	(tag) =	ssettag $0x0;
	lr =	simm.s32 $0x1  }
0x2: {  	[smem:$0x3F9E] =	sst lr;
	_ =	strace $0xD0000000  }
0x3: {  	_ = 	snop  }
0x4: {  	_ = 	snop  }
0x5: {  	_ = 	snop  }
0x6: {  	_ = 	snop  }
0x7: {  	_ = 	snop  }
__scs_overlays_trampoline_lowered:
0x8: {  	[smem:$0x3FAD] =	sst s0  }
0x9: {  	[smem:$0x3FAE] =	sst s1  }
0xa: {  	[smem:$0x3FAF] =	sst s2  }
0xb: {  	[smem:$0x3FB0] =	sst s3  }
0xc: {  	[smem:$0x3FB1] =	sst s4  }
0xd: {  	[smem:$0x3FB2] =	sst s5  }
0xe: {  	[smem:$0x3FB3] =	sst s6  }
0xf: {  	[smem:$0x3FB4] =	sst s7  }
0x10: {  	[smem:$0x3FB5] =	sst s8  }
0x11: {  	[smem:$0x3FB6] =	sst s9;
	s0 =	simm.s32 @!p0 $0x0  }
0x12: {  	s1 =	sld [smem:$0x3F9C];
	s0 =	simm.s32 @p0 $0x1  }
0x13: {  	[smem:$0x3FB7] =	sst s0;
	s0 =	simm.s32 @!p1 $0x0  }
0x14: {  	s2 =	sld [smem:$0x3F9B];
	s0 =	simm.s32 @p1 $0x1  }
0x15: {  	[smem:$0x3FB8] =	sst s0;
	s0 =	simm.s32 @!p2 $0x0  }
0x16: {  	s3 =	sld [smem:$0x3FDB];
	s0 =	simm.s32 @p2 $0x1  }
0x17: {  	s4 =	simm.s32 $0x1BF5;
	[smem:$0x3FBA] =	sst s0  }
0x18: {  	s0 =	sld [smem:$0x3F9D];
	_ =	swait.ge [sflag:s4], $0x0  }
0x19: {  	s7 =	sld [smem:$0x3F9E]  }
0x1a: {  	s8 =	sadd.s32 $0xFFFFE003, lr  }
0x1b: {  	s9 =	sadd.s32 $0xFFFFFEF7, lr;
	s5 =	simm.s32 $0xFFFFFFFF;
	p2 =	slt.u32 s8, $0xFFFFF086  }
0x1c: {  	p1 =	slt.u32 s9, $0xF7A;
	s5 =	simm.s32 @!p2 $0x0  }
0x1d: {  	s5 =	simm.s32 @p1 $0x1;
	p0 =	seq.s32 s7, s2  }
0x1e: {  	s7 =	smul.u32 @!p0 $0xF7A, s2;
	p2 =	seq.s32 @!p0 s5, $0x0  }
0x1f: {  	s9 =	smul.u32 $0xF7A, s1;
	s8 =	simm.s32 @!p0 $0x1BF5;
	p2 =	por !p2, p0  }
0x20: {  	[sflag:s8] =	ssyncset.s32 @!p0 $0xFFFFF086;
	s6 =	sadd.s32 @!p0 s3, s7;
	s7 =	simm.s32 @!p0 $0x108  }
0x21: {  	s3 =	sadd.s32 s3, s9;
	s6 =	sadd.s32 @!p0 $0x88, s6;
	s7 =	simm.s32 @p2 $0x1082  }
0x22: {  	[simem:s7], [sflag:s8] =	dma.local @!p0 [hbm:s6], $0xF7A  }
0x23: {  	s9 =	sor.u32 $0xD0000000, s2;
	s6 =	simm.s32 $0x108;
	_ =	swait.ge @!p0 [sflag:s8], $0x0  }
0x24: {  	s3 =	sadd.s32 $0x88, s3;
	s6 =	simm.s32 @!p1 $0x1082;
	[sflag:s4] =	ssyncset.s32 $0xFFFFF086  }
0x25: {  	[simem:s6], [sflag:s4] =	dma.local [hbm:s3], $0xF7A  }
0x26: {  	[smem:$0x3F9E] =	sst s1;
	(tag) =	ssettag s2;
	_ =	strace s9  }
0x27: {  	s1 =	sld [smem:$0x3FAE]  }
0x28: {  	s2 =	sld [smem:$0x3FAF]  }
0x29: {  	s4 =	sld [smem:$0x3FB1]  }
0x2a: {  	p0 =	seq.s32 s5, $0x0;
	s5 =	sld [smem:$0x3FB2]  }
0x2b: {  	s6 =	sld [smem:$0x3FB3]  }
0x2c: {  	s7 =	sld [smem:$0x3FB4]  }
0x2d: {  	s3 =	simm.s32 $0x108;
	s8 =	sld [smem:$0x3FB5]  }
0x2e: {  	s3 =	simm.s32 @!p0 $0x1082;
	s9 =	sld [smem:$0x3FB6]  }
0x2f: {  	lr =	sadd.s32 s0, s3;
	s0 =	sld [smem:$0x3FAD]  }
0x30: {  	s3 =	sld [smem:$0x3FB0]  }
0x31: {  	[smem:$0x3FB9] =	sst s10  }
0x32: {  	s10 =	sld [smem:$0x3FB7];
	_ =	sdelay $0x3  }
0x33: {  	p0 =	seq.s32 s10, $0x1;
	s10 =	sld [smem:$0x3FB9];
	_ =	sdelay $0x3  }
0x34: {  	[smem:$0x3FB9] =	sst s10  }
0x35: {  	s10 =	sld [smem:$0x3FB8];
	_ =	sdelay $0x3  }
0x36: {  	p1 =	seq.s32 s10, $0x1;
	s10 =	sld [smem:$0x3FB9];
	_ =	sdelay $0x3  }
0x37: {  	[smem:$0x3FB9] =	sst s10  }
0x38: {  	s10 =	sld [smem:$0x3FBA]  }
0x39: {  	_ = 	snop;
	(pc) =	sbr.ind lr, $3  }
0x3a: {  	_ = 	snop  }
0x3b: {  	_ = 	snop  }
0x3c: {  	p2 =	seq.s32 s10, $0x1;
	s10 =	sld [smem:$0x3FB9]  }
0x3d: {  	_ =	shalt  }
0x3e: {  	_ =	shalt  }
0x3f: {  	_ =	shalt  }
0x40: {  	_ =	shalt  }
0x41: {  	_ =	shalt  }
0x42: {  	_ =	shalt  }
0x43: {  	_ =	shalt  }
0x44: {  	_ =	shalt  }
0x45: {  	_ =	shalt  }
0x46: {  	_ =	shalt  }
0x47: {  	_ =	shalt  }
0x48: {  	_ =	shalt  }
0x49: {  	_ =	shalt  }
0x4a: {  	_ =	shalt  }
0x4b: {  	_ =	shalt  }
0x4c: {  	_ =	shalt  }
0x4d: {  	_ =	shalt  }
0x4e: {  	_ =	shalt  }
0x4f: {  	_ =	shalt  }
0x50: {  	_ =	shalt  }
0x51: {  	_ =	shalt  }
0x52: {  	_ =	shalt  }
0x53: {  	_ =	shalt  }
0x54: {  	_ =	shalt  }
0x55: {  	_ =	shalt  }
0x56: {  	_ =	shalt  }
0x57: {  	_ =	shalt  }
0x58: {  	_ =	shalt  }
0x59: {  	_ =	shalt  }
0x5a: {  	_ =	shalt  }
0x5b: {  	_ =	shalt  }
0x5c: {  	_ =	shalt  }
0x5d: {  	_ =	shalt  }
0x5e: {  	_ =	shalt  }
0x5f: {  	_ =	shalt  }
0x60: {  	_ =	shalt  }
0x61: {  	_ =	shalt  }
0x62: {  	_ =	shalt  }
0x63: {  	_ =	shalt  }
0x64: {  	_ =	shalt  }
0x65: {  	_ =	shalt  }
0x66: {  	_ =	shalt  }
0x67: {  	_ =	shalt  }
0x68: {  	_ =	shalt  }
0x69: {  	_ =	shalt  }
0x6a: {  	_ =	shalt  }
0x6b: {  	_ =	shalt  }
0x6c: {  	_ =	shalt  }
0x6d: {  	_ =	shalt  }
0x6e: {  	_ =	shalt  }
0x6f: {  	_ =	shalt  }
0x70: {  	_ =	shalt  }
0x71: {  	_ =	shalt  }
0x72: {  	_ =	shalt  }
0x73: {  	_ =	shalt  }
0x74: {  	_ =	shalt  }
0x75: {  	_ =	shalt  }
0x76: {  	_ =	shalt  }
0x77: {  	_ =	shalt  }
0x78: {  	_ =	shalt  }
0x79: {  	_ =	shalt  }
0x7a: {  	_ =	shalt  }
0x7b: {  	_ =	shalt  }
0x7c: {  	_ =	shalt  }
0x7d: {  	_ =	shalt  }
0x7e: {  	_ =	shalt  }
0x7f: {  	_ =	shalt  }
0x80: {  	_ =	shalt  }
0x81: {  	_ =	shalt  }
0x82: {  	_ =	shalt  }
0x83: {  	_ =	shalt  }
0x84: {  	_ =	shalt  }
0x85: {  	_ =	shalt  }
0x86: {  	_ =	shalt  }
0x87: {  	_ =	shalt  }
.Lfunc_end0:
.L_simem_size_0:
called_computation_lowered:
.L_overlay_start_0:
0x88: {  	s2 =	sld [smem:$0x3FD9]  }
0x89: {  	s3 =	sld [smem:$0x3FFE];
	_ =	sdelay $0x1  }
0x8a: {  	s1 =	srdreg.scid  }
0x8b: {  	s0 =	sand.u32 $0x1, s1  }
0x8c: {  	s17 =	sshll.u32 s0, $0xA;
	s2 =	sadd.s32 s3, s2  }
0x8d: {  	s2 =	sadd.s32 s2, s17  }
0x8e: {  	[smem:$0x3FC5] =	sst s2  }
0x8f: {  	_ = 	snop  }
0x90: {  	s2 =	sld [smem:$0x3FD0];
	(tm) =	ssettm $0x1  }
0x91: {  	s18 =	sld [smem:$0x3FFB];
	_ =	sdelay $0x3  }
0x92: {  	_ =	strace s18  }
0x93: {  	s3 =	sld [smem:$0x3FFC];
	_ =	sdelay $0x3  }
0x94: {  	_ =	strace s3  }
0x95: {  	s3 =	sld [smem:$0x3FFD];
	_ =	sdelay $0x3  }
0x96: {  	_ =	strace s3  }
0x97: {  	_ =	strace $0x8FFFFFFF  }
0x98: {  	s19 =	sld [smem:$0x3FDB];
	_ =	sdelay $0x1  }
0x99: {  	s4 =	simm.s32 $_scs_section_size  }
0x9a: {  	s5 =	simm.s32 $_size__tile_overlayer_lowered;
	s6 =	simm.s32 $_tile_overlayer_lowered  }
0x9b: {  	s22 =	simm.s32 $0x1BFF;
	s21 =	sshll.u32 s6, $0x1;
	s3 =	sadd.s32 s4, s19  }
0x9c: {  	s7 =	simm.s32 $0x0;
	s20 =	sshll.u32 s5, $0x1;
	s5 =	sadd.s32 s21, s3  }
0x9d: {  	[timem:s7], [sflag:s22] =	dma.local [hbm:s5], s20  }
0x9e: {  	_ =	swait.ge [sflag:s22], s20  }
0x9f: {  	s4 =	ssub.s32 $0x0, s20;
	[sflag:s22] =	ssyncset.done $0x0  }
0xa0: {  	[sflag:s22] =	ssyncadd.s32 s4;
	_ =	sdelay $0x1  }
0xa1: {  	s23 =	simm.s32 $0x1B8B  }
0xa2: {  	_ =	swait.ge [sflag:s23], $0x1  }
0xa3: {  	[sflag:s23] =	ssyncset.done $0x0  }
0xa4: {  	s25 =	simm.s32 $0x1B8E;
	s24 =	sld [smem:$0x3FFE];
	[sflag:s23] =	ssyncadd.s32 $0xFFFFFFFF  }
0xa5: {  	s26 =	simm.s32 $execute0_lowered;
	[smem:$0x3FD2] =	sst s25  }
0xa6: {  	s5 =	sshll.u32 s26, $0x1;
	_ =	strace $0x80000046;
	[dreg:$0x1] =	wrdreg $0xFFFFFFFF  }
0xa7: {  	s28 =	simm.s32 $_size_execute0_lowered;
	s3 =	sadd.s32 s3, s5;
	[dreg:$0x0] =	wrdreg $0x0  }
0xa8: {  	s5 =	sshll.u32 s28, $0x1;
	[dreg:$0x2] =	wrdreg s3  }
0xa9: {  	[dreg:$0x3] =	wrdreg s5  }
0xaa: {  	[dreg:$0x4] =	wrdreg $0xC0  }
0xab: {  	_ =	task [dreg:s7], $0x5FFFF  }
0xac: {  	[dreg:$0x1] =	wrdreg $0xFFFFFFFF  }
0xad: {  	[dreg:$0x0] =	wrdreg $0x60  }
0xae: {  	[dreg:$0x2] =	wrdreg s2  }
0xaf: {  	[dreg:$0x3] =	wrdreg s24  }
0xb0: {  	[dreg:$0x4] =	wrdreg $0x9C000  }
0xb1: {  	[dreg:$0x5] =	wrdreg $0x1D8000  }
0xb2: {  	[dreg:$0x6] =	wrdreg $0x9  }
0xb3: {  	_ =	task.clear_ibuf [dreg:s7], $0x7FFFF;
	_ =	strace $0x90000046  }
0xb4: {  	s29 =	simm.s32 $0x9;
	_ =	strace $0x80000048  }
0xb5: {  	_ =	swait.ge [sflag:s29], $0x1  }
0xb6: {  	[sflag:s29] =	ssyncadd.s32 $0xFFFFFFFF  }
0xb7: {  	_ =	strace $0x90000048  }
0xb8: {  	_ =	sfence  }
0xb9: {  	s30 =	sld [smem:$0x0];
	_ =	sdelay $0x2  }
0xba: {  	s31 =	sshll.u32 s1, $0xD;
	s1 =	sshrl.u32 s1, $0x2  }
0xbb: {  	s3 =	sand.u32 $0x4000, s31;
	s1 =	sadd.s32 s1, s30  }
0xbc: {  	s0 =	sor.u32 s3, s0;
	s1 =	sshll.u32 s1, $0x11  }
0xbd: {  	s0 =	sor.u32 s1, s0  }
0xbe: {  	s0 =	sadd.s32 $0x8F2B, s0  }
0xbf: {  	[sflag:s0] =	ssyncadd.remote.s32 $0x1  }
0xc0: {  	_ =	sfence.sel $0xFFFF  }
0xc1: {  	[dreg:$0x0] =	wrdreg $0xFFFFFFFF;
	(pc) =	sbr.abs _section_cstart, $3  }
0xc2: {  	[dreg:$0x1] =	wrdreg $0xFFFFFFFF  }
0xc3: {  	_ =	task.clear_ibuf [dreg:s7], $0x2FFFF;
	_ =	strace $0x9FFFFFFF  }
0xc4: {  	(tm) =	ssettm $0x7FFFFFFF  }
0xc5: {  	_ =	shalt  }
tec
execute0_lowered:
.L_overlay_start_1:
0x0: {  	(tag) =	ssettag $0x1  }
0x1: {  	s1 =	rddreg [dreg:$0x0]  }
0x2: {  	s0 =	rddreg [dreg:$0x1]  }
0x3: {  	s2 =	rddreg [dreg:$0x2]  }
0x4: {  	s3 =	rddreg [dreg:$0x3];
	s4 =	simm.s32 $0x0  }
0x5: {  	s5 =	srdreg.scid;
	s24 =	stileid.u32;
	s19 =	simm.s32 $0x1400  }
0x6: {  	s20 =	simm.s32 $0x5400;
	s21 =	simm.s32 $0x9400;
	s23 =	simm.s32 $0x1  }
0x7: {  	s28 =	simm.s32 $0x1380;
	s29 =	simm.s32 $0x0;
	s11 =	smul.u32 $0x1400, s24  }
0x8: {  	[smem:$0x7FF] =	sst s4;
	s5 =	sand.u32 $0x1, s5;
	s16 =	smul.u32 $0x27800, s24  }
0x9: {  	s6 =	sadd.s32 $0x2E00, s0;
	s14 =	sadd.s32 $0x7E00, s0;
	s17 =	smul.u32 $0x2780, s24  }
0xa: {  	s7 =	sadd.s32 $0x600, s0;
	s8 =	sadd.s32 $0xD000, s0;
	s9 =	smul.u32 $0x27800, s5  }
0xb: {  	_ =	strace $0x80000047;
	[dreg:$0x5] =	wrdreg s7;
	s10 =	smul.u32 $0x14000, s5  }
0xc: {  	[dreg:$0x6] =	wrdreg s8;
	s25 =	smul.u32 $0x4F00, s5;
	s5 =	ssub.s32 $0x2, s5  }
0xd: {  	s8 =	sadd.s32 $0xCE00, s0;
	s12 =	sshrl.u32 s5, $0x1;
	s30 =	sshrl.u32 s16, $0x1  }
0xe: {  	s22 =	sshrl.u32 s16, $0x4;
	s24 =	sshrl.u32 s17, $0x3;
	s16 =	simm.s32 $0x3  }
0xf: {  	s15 =	sadd.s32 s9, s0;
	s10 =	sadd.s32 s11, s10;
	s0 =	sadd.s32 s25, s0  }
0x10: {  	s5 =	ssub.s32 s5, s12;
	s11 =	sadd.s32 s30, s2;
	s12 =	sadd.s32 s17, s3  }
0x11: {  	s17 =	simm.s32 $0xA00;
	s25 =	simm.s32 $0x2;
	s26 =	sshrl.u32 s10, $0x3  }
0x12: {  	s31 =	sadd.s32 $0xD600, s15;
	s0 =	sadd.s32 $0x5C600, s0;
	s15 =	smax.u32 s5, $0x1  }
0x13: {  	s9 =	sadd.s32 s6, s26;
	s10 =	sadd.s32 s14, s26;
	s18 =	sadd.s32 $0x140, s26  }
0x14: {  	s22 =	sadd.s32 s22, s31;
	s24 =	sadd.s32 s24, s0;
	s26 =	simm.s32 $0x1300  }
0x15: {  	s13 =	sadd.s32 s6, s18;
	s14 =	sadd.s32 s14, s18;
	s18 =	simm.s32 $0x80  }
.LBB2_1:
0x16: {  	[tilespmem:s4], [sflag:$0x3] =	stream.linear.gather [hbm4b:s9+s4], $0xA00, $0x38;
	[tilespmem:$0x1FF80] =	vst v63  }
0x17: {  	_ =	swait.ge [sflag:s16], $0xA00  }
0x18: {  	[sflag:s16] =	ssyncset.done $0x0  }
0x19: {  	[sflag:s16] =	ssyncadd.s32 $0xFFFFF600  }
0x1a: {  	[tilespmem:s17], [sflag:$0x3] =	stream.linear.gather [hbm4b:s10+s4], $0xA00, $0x38;
	[tilespmem:$0x1FF80] =	vst v63  }
0x1b: {  	_ =	swait.ge [sflag:s16], $0xA00  }
0x1c: {  	s0 =	stileid.u32;
	[sflag:s16] =	ssyncset.done $0x0  }
0x1d: {  	s0 =	sshll.u32 s0, $0x6;
	[sflag:s16] =	ssyncadd.s32 $0xFFFFF600  }
0x1e: {  	[tilespmem:s19], [sflag:$0x1] =	stream.indirect.gather [hbm4b:s1+s18], $0x80, s4, s18, $0xb8;
	[tilespmem:$0x1FF80] =	vst v63  }
0x1f: {  	s31 =	sshrl.u32 s11, $0x3;
	s30 =	sor.u32 $0x1C03, s0;
	s6 =	rddreg [dreg:$0x5]  }
0x20: {  	[tilespmem:s20], [sflag:$0x2] =	stream.indirect.gather [hbm4b:s1+s18], $0x80, s18, s18, $0xb8;
	[tilespmem:$0x1FF80] =	vst v63  }
0x21: {  	[spmem:s31], [sflag:s30] =	dma.local [hbm:s6], $0x2780  }
0x22: {  	_ =	swait.ge [sflag:s16], $0x2780  }
0x23: {  	[sflag:s16] =	ssyncset.done $0x0  }
0x24: {  	s0 =	sshrl.u32 s12, $0x3;
	s5 =	rddreg [dreg:$0x6];
	[sflag:s16] =	ssyncadd.s32 $0xFFFFD880  }
0x25: {  	[spmem:s0], [sflag:s30] =	dma.local [hbm:s5], $0x4F0  }
0x26: {  	_ =	swait.ge [sflag:s16], $0x4F0  }
0x27: {  	[sflag:s16] =	ssyncset.done $0x0  }
0x28: {  	[sflag:s16] =	ssyncadd.s32 $0xFFFFFB10  }
0x29: {  	[tilespmem:s21], [sflag:$0x3] =	stream.linear.gather [hbm4b:s8+s4], $0x800, $0x38;
	[tilespmem:$0x1FF80] =	vst v63  }
0x2a: {  	_ =	swait.ge [sflag:s16], $0x800  }
0x2b: {  	[sflag:s16] =	ssyncset.done $0x0  }
0x2c: {  	[sflag:s16] =	ssyncadd.s32 $0xFFFFF800  }
0x2d: {  	[bflag:$0x0] =	sbarrier.arrive $0xFFFF  }
0x2e: {  	_ =	swait.ge [sflag:s23], $0x4000  }
0x2f: {  	[sflag:s23] =	ssyncset.done $0x0  }
0x30: {  	s7 =	simm.s32 $0xA00;
	[sflag:s23] =	ssyncadd.s32 $0xFFFFC000  }
0x31: {  	[spmem:s2] =	stream.indirect.scatter.add.bf16 [tilespmem:s19], [sflag:$0x3], $0x80, s7, s18, $0xb8;
	[tilespmem:$0x1FF80] =	vst v63  }
0x32: {  	_ =	swait.ge [sflag:s16], $0x4000  }
0x33: {  	[sflag:s16] =	ssyncset.done $0x0  }
0x34: {  	[sflag:s16] =	ssyncadd.s32 $0xFFFFC000  }
0x35: {  	[spmem:s3] =	stream.indirect.scatter.add.f32 [tilespmem:s21], [sflag:$0x3], $0x10, s7, s18, $0xb8;
	[tilespmem:$0x1FF80] =	vst v63  }
0x36: {  	_ =	swait.ge [sflag:s16], $0x800  }
0x37: {  	[sflag:s16] =	ssyncset.done $0x0  }
0x38: {  	s6 =	simm.s32 $0x100;
	[sflag:s16] =	ssyncadd.s32 $0xFFFFF800  }
0x39: {  	[tilespmem:s19], [sflag:$0x1] =	stream.indirect.gather [hbm4b:s1+s18], $0x80, s6, s18, $0xb8;
	[tilespmem:$0x1FF80] =	vst v63  }
0x3a: {  	_ =	swait.ge [sflag:s25], $0x4000  }
0x3b: {  	[sflag:s25] =	ssyncset.done $0x0  }
0x3c: {  	s7 =	simm.s32 $0xA80;
	[sflag:s25] =	ssyncadd.s32 $0xFFFFC000  }
0x3d: {  	[spmem:s2] =	stream.indirect.scatter.add.bf16 [tilespmem:s20], [sflag:$0x3], $0x80, s7, s18, $0xb8;
	[tilespmem:$0x1FF80] =	vst v63  }
0x3e: {  	_ =	swait.ge [sflag:s16], $0x4000  }
0x3f: {  	[sflag:s16] =	ssyncset.done $0x0  }
0x40: {  	[sflag:s16] =	ssyncadd.s32 $0xFFFFC000  }
0x41: {  	[spmem:s3] =	stream.indirect.scatter.add.f32 [tilespmem:s21], [sflag:$0x3], $0x10, s7, s18, $0xb8;
	[tilespmem:$0x1FF80] =	vst v63  }
0x42: {  	_ =	swait.ge [sflag:s16], $0x800  }
0x43: {  	[sflag:s16] =	ssyncset.done $0x0  }
0x44: {  	s5 =	simm.s32 $0x400;
	s6 =	simm.s32 $0x180;
	[sflag:s16] =	ssyncadd.s32 $0xFFFFF800  }
.LBB2_2:
0x45: {  	[tilespmem:s20], [sflag:$0x2] =	stream.indirect.gather [hbm4b:s1+s18], $0x80, s6, s18, $0xb8;
	[tilespmem:$0x1FF80] =	vst v63  }
0x46: {  	s6 =	smov.u32 s5  }
0x47: {  	p0 =	sne.s32 s5, $0x2000;
	s5 =	sadd.s32 $0x400, s5;
	_ =	swait.ge [sflag:s23], $0x4000  }
0x48: {  	s6 =	sshra.s32 s6, $0x2;
	[sflag:s23] =	ssyncset.done $0x0  }
0x49: {  	s7 =	sadd.s32 $0xA00, s6;
	[sflag:s23] =	ssyncadd.s32 $0xFFFFC000  }
0x4a: {  	[spmem:s2] =	stream.indirect.scatter.add.bf16 [tilespmem:s19], [sflag:$0x3], $0x80, s7, s18, $0xb8;
	[tilespmem:$0x1FF80] =	vst v63  }
0x4b: {  	_ =	swait.ge [sflag:s16], $0x4000  }
0x4c: {  	[sflag:s16] =	ssyncset.done $0x0  }
0x4d: {  	[sflag:s16] =	ssyncadd.s32 $0xFFFFC000  }
0x4e: {  	[spmem:s3] =	stream.indirect.scatter.add.f32 [tilespmem:s21], [sflag:$0x3], $0x10, s7, s18, $0xb8;
	[tilespmem:$0x1FF80] =	vst v63  }
0x4f: {  	_ =	swait.ge [sflag:s16], $0x800  }
0x50: {  	[sflag:s16] =	ssyncset.done $0x0  }
0x51: {  	s7 =	sadd.s32 $0x100, s6;
	[sflag:s16] =	ssyncadd.s32 $0xFFFFF800  }
0x52: {  	[tilespmem:s19], [sflag:$0x1] =	stream.indirect.gather [hbm4b:s1+s18], $0x80, s7, s18, $0xb8;
	[tilespmem:$0x1FF80] =	vst v63  }
0x53: {  	_ =	swait.ge [sflag:s25], $0x4000  }
0x54: {  	[sflag:s25] =	ssyncset.done $0x0  }
0x55: {  	s7 =	sadd.s32 $0xA80, s6;
	[sflag:s25] =	ssyncadd.s32 $0xFFFFC000  }
0x56: {  	[spmem:s2] =	stream.indirect.scatter.add.bf16 [tilespmem:s20], [sflag:$0x3], $0x80, s7, s18, $0xb8;
	[tilespmem:$0x1FF80] =	vst v63  }
0x57: {  	_ =	swait.ge [sflag:s16], $0x4000  }
0x58: {  	[sflag:s16] =	ssyncset.done $0x0  }
.Ltmp0:
0x59: {  	[sflag:s16] =	ssyncadd.s32 $0xFFFFC000;
	(pc) =	sbr.rel @p0 .LBB2_2-.Ltmp0, $4  }
0x5a: {  	[spmem:s3] =	stream.indirect.scatter.add.f32 [tilespmem:s21], [sflag:$0x3], $0x10, s7, s18, $0xb8;
	[tilespmem:$0x1FF80] =	vst v63  }
0x5b: {  	_ =	swait.ge [sflag:s16], $0x800  }
0x5c: {  	[sflag:s16] =	ssyncset.done $0x0  }
0x5d: {  	s6 =	sadd.s32 $0x180, s6;
	[sflag:s16] =	ssyncadd.s32 $0xFFFFF800  }
0x5e: {  	[tilespmem:s20], [sflag:$0x2] =	stream.indirect.gather [hbm4b:s1+s18], $0x80, s6, s18, $0xb8;
	[tilespmem:$0x1FF80] =	vst v63  }
0x5f: {  	_ =	swait.ge [sflag:s23], $0x4000  }
0x60: {  	[sflag:s23] =	ssyncset.done $0x0  }
0x61: {  	[sflag:s23] =	ssyncadd.s32 $0xFFFFC000  }
0x62: {  	[spmem:s2] =	stream.indirect.scatter.add.bf16 [tilespmem:s19], [sflag:$0x3], $0x80, s26, s18, $0xb8;
	[tilespmem:$0x1FF80] =	vst v63  }
0x63: {  	_ =	swait.ge [sflag:s16], $0x4000  }
0x64: {  	[sflag:s16] =	ssyncset.done $0x0  }
0x65: {  	[sflag:s16] =	ssyncadd.s32 $0xFFFFC000  }
0x66: {  	[spmem:s3] =	stream.indirect.scatter.add.f32 [tilespmem:s21], [sflag:$0x3], $0x10, s26, s18, $0xb8;
	[tilespmem:$0x1FF80] =	vst v63  }
0x67: {  	_ =	swait.ge [sflag:s16], $0x800  }
0x68: {  	[sflag:s16] =	ssyncset.done $0x0  }
0x69: {  	[sflag:s16] =	ssyncadd.s32 $0xFFFFF800  }
0x6a: {  	_ =	swait.ge [sflag:s25], $0x4000  }
0x6b: {  	[sflag:s25] =	ssyncset.done $0x0  }
0x6c: {  	[sflag:s25] =	ssyncadd.s32 $0xFFFFC000  }
0x6d: {  	[spmem:s2] =	stream.indirect.scatter.add.bf16 [tilespmem:s20], [sflag:$0x3], $0x80, s28, s18, $0xb8;
	[tilespmem:$0x1FF80] =	vst v63  }
0x6e: {  	_ =	swait.ge [sflag:s16], $0x4000  }
0x6f: {  	[sflag:s16] =	ssyncset.done $0x0  }
0x70: {  	[sflag:s16] =	ssyncadd.s32 $0xFFFFC000  }
0x71: {  	[spmem:s3] =	stream.indirect.scatter.add.f32 [tilespmem:s21], [sflag:$0x3], $0x10, s28, s18, $0xb8;
	[tilespmem:$0x1FF80] =	vst v63  }
0x72: {  	_ =	swait.ge [sflag:s16], $0x800  }
0x73: {  	[sflag:s16] =	ssyncset.done $0x0  }
0x74: {  	s5 =	simm.s32 $0x0;
	[sflag:s16] =	ssyncadd.s32 $0xFFFFF800  }
0x75: {  	[tilespmem:s5], [sflag:$0x3] =	stream.linear.gather [hbm4b:s13+s5], $0xA00, $0x38;
	[tilespmem:$0x1FF80] =	vst v63  }
0x76: {  	_ =	swait.ge [sflag:s16], $0xA00  }
0x77: {  	[sflag:s16] =	ssyncset.done $0x0  }
0x78: {  	[sflag:s16] =	ssyncadd.s32 $0xFFFFF600  }
0x79: {  	[tilespmem:s17], [sflag:$0x3] =	stream.linear.gather [hbm4b:s14+s5], $0xA00, $0x38;
	[tilespmem:$0x1FF80] =	vst v63  }
0x7a: {  	_ =	swait.ge [sflag:s16], $0xA00  }
0x7b: {  	[sflag:s16] =	ssyncset.done $0x0  }
0x7c: {  	[sflag:s16] =	ssyncadd.s32 $0xFFFFF600  }
0x7d: {  	[tilespmem:s19], [sflag:$0x1] =	stream.indirect.gather [hbm4b:s1+s18], $0x80, s5, s18, $0xb8;
	[tilespmem:$0x1FF80] =	vst v63  }
0x7e: {  	_ = 	snop  }
0x7f: {  	[tilespmem:s20], [sflag:$0x2] =	stream.indirect.gather [hbm4b:s1+s18], $0x80, s18, s18, $0xb8;
	[tilespmem:$0x1FF80] =	vst v63  }
0x80: {  	_ =	swait.ge [sflag:s23], $0x4000  }
0x81: {  	[sflag:s23] =	ssyncset.done $0x0  }
0x82: {  	s7 =	simm.s32 $0xA00;
	[sflag:s23] =	ssyncadd.s32 $0xFFFFC000  }
0x83: {  	[spmem:s2] =	stream.indirect.scatter.add.bf16 [tilespmem:s19], [sflag:$0x3], $0x80, s7, s18, $0xb8;
	[tilespmem:$0x1FF80] =	vst v63  }
0x84: {  	_ =	swait.ge [sflag:s16], $0x4000  }
0x85: {  	[sflag:s16] =	ssyncset.done $0x0  }
0x86: {  	[sflag:s16] =	ssyncadd.s32 $0xFFFFC000  }
0x87: {  	[spmem:s3] =	stream.indirect.scatter.add.f32 [tilespmem:s21], [sflag:$0x3], $0x10, s7, s18, $0xb8;
	[tilespmem:$0x1FF80] =	vst v63  }
0x88: {  	_ =	swait.ge [sflag:s16], $0x800  }
0x89: {  	[sflag:s16] =	ssyncset.done $0x0  }
0x8a: {  	s6 =	simm.s32 $0x100;
	[sflag:s16] =	ssyncadd.s32 $0xFFFFF800  }
0x8b: {  	[tilespmem:s19], [sflag:$0x1] =	stream.indirect.gather [hbm4b:s1+s18], $0x80, s6, s18, $0xb8;
	[tilespmem:$0x1FF80] =	vst v63  }
0x8c: {  	_ =	swait.ge [sflag:s25], $0x4000  }
0x8d: {  	[sflag:s25] =	ssyncset.done $0x0  }
0x8e: {  	s7 =	simm.s32 $0xA80;
	[sflag:s25] =	ssyncadd.s32 $0xFFFFC000  }
0x8f: {  	[spmem:s2] =	stream.indirect.scatter.add.bf16 [tilespmem:s20], [sflag:$0x3], $0x80, s7, s18, $0xb8;
	[tilespmem:$0x1FF80] =	vst v63  }
0x90: {  	_ =	swait.ge [sflag:s16], $0x4000  }
0x91: {  	[sflag:s16] =	ssyncset.done $0x0  }
0x92: {  	[sflag:s16] =	ssyncadd.s32 $0xFFFFC000  }
0x93: {  	[spmem:s3] =	stream.indirect.scatter.add.f32 [tilespmem:s21], [sflag:$0x3], $0x10, s7, s18, $0xb8;
	[tilespmem:$0x1FF80] =	vst v63  }
0x94: {  	_ =	swait.ge [sflag:s16], $0x800  }
0x95: {  	[sflag:s16] =	ssyncset.done $0x0  }
0x96: {  	s5 =	simm.s32 $0x400;
	s6 =	simm.s32 $0x180;
	[sflag:s16] =	ssyncadd.s32 $0xFFFFF800  }
.LBB2_4:
0x97: {  	[tilespmem:s20], [sflag:$0x2] =	stream.indirect.gather [hbm4b:s1+s18], $0x80, s6, s18, $0xb8;
	[tilespmem:$0x1FF80] =	vst v63  }
0x98: {  	s6 =	smov.u32 s5  }
0x99: {  	p0 =	sne.s32 s5, $0x2000;
	s5 =	sadd.s32 $0x400, s5;
	_ =	swait.ge [sflag:s23], $0x4000  }
0x9a: {  	s6 =	sshra.s32 s6, $0x2;
	[sflag:s23] =	ssyncset.done $0x0  }
0x9b: {  	s7 =	sadd.s32 $0xA00, s6;
	[sflag:s23] =	ssyncadd.s32 $0xFFFFC000  }
0x9c: {  	[spmem:s2] =	stream.indirect.scatter.add.bf16 [tilespmem:s19], [sflag:$0x3], $0x80, s7, s18, $0xb8;
	[tilespmem:$0x1FF80] =	vst v63  }
0x9d: {  	_ =	swait.ge [sflag:s16], $0x4000  }
0x9e: {  	[sflag:s16] =	ssyncset.done $0x0  }
0x9f: {  	[sflag:s16] =	ssyncadd.s32 $0xFFFFC000  }
0xa0: {  	[spmem:s3] =	stream.indirect.scatter.add.f32 [tilespmem:s21], [sflag:$0x3], $0x10, s7, s18, $0xb8;
	[tilespmem:$0x1FF80] =	vst v63  }
0xa1: {  	_ =	swait.ge [sflag:s16], $0x800  }
0xa2: {  	[sflag:s16] =	ssyncset.done $0x0  }
0xa3: {  	s7 =	sadd.s32 $0x100, s6;
	[sflag:s16] =	ssyncadd.s32 $0xFFFFF800  }
0xa4: {  	[tilespmem:s19], [sflag:$0x1] =	stream.indirect.gather [hbm4b:s1+s18], $0x80, s7, s18, $0xb8;
	[tilespmem:$0x1FF80] =	vst v63  }
0xa5: {  	_ =	swait.ge [sflag:s25], $0x4000  }
0xa6: {  	[sflag:s25] =	ssyncset.done $0x0  }
0xa7: {  	s7 =	sadd.s32 $0xA80, s6;
	[sflag:s25] =	ssyncadd.s32 $0xFFFFC000  }
0xa8: {  	[spmem:s2] =	stream.indirect.scatter.add.bf16 [tilespmem:s20], [sflag:$0x3], $0x80, s7, s18, $0xb8;
	[tilespmem:$0x1FF80] =	vst v63  }
0xa9: {  	_ =	swait.ge [sflag:s16], $0x4000  }
0xaa: {  	[sflag:s16] =	ssyncset.done $0x0  }
.Ltmp1:
0xab: {  	[sflag:s16] =	ssyncadd.s32 $0xFFFFC000;
	(pc) =	sbr.rel @p0 .LBB2_4-.Ltmp1, $4  }
0xac: {  	[spmem:s3] =	stream.indirect.scatter.add.f32 [tilespmem:s21], [sflag:$0x3], $0x10, s7, s18, $0xb8;
	[tilespmem:$0x1FF80] =	vst v63  }
0xad: {  	_ =	swait.ge [sflag:s16], $0x800  }
0xae: {  	[sflag:s16] =	ssyncset.done $0x0  }
0xaf: {  	s6 =	sadd.s32 $0x180, s6;
	[sflag:s16] =	ssyncadd.s32 $0xFFFFF800  }
0xb0: {  	[tilespmem:s20], [sflag:$0x2] =	stream.indirect.gather [hbm4b:s1+s18], $0x80, s6, s18, $0xb8;
	[tilespmem:$0x1FF80] =	vst v63  }
0xb1: {  	_ =	swait.ge [sflag:s23], $0x4000  }
0xb2: {  	[sflag:s23] =	ssyncset.done $0x0  }
0xb3: {  	[sflag:s23] =	ssyncadd.s32 $0xFFFFC000  }
0xb4: {  	[spmem:s2] =	stream.indirect.scatter.add.bf16 [tilespmem:s19], [sflag:$0x3], $0x80, s26, s18, $0xb8;
	[tilespmem:$0x1FF80] =	vst v63  }
0xb5: {  	_ =	swait.ge [sflag:s16], $0x4000  }
0xb6: {  	[sflag:s16] =	ssyncset.done $0x0  }
0xb7: {  	[sflag:s16] =	ssyncadd.s32 $0xFFFFC000  }
0xb8: {  	[spmem:s3] =	stream.indirect.scatter.add.f32 [tilespmem:s21], [sflag:$0x3], $0x10, s26, s18, $0xb8;
	[tilespmem:$0x1FF80] =	vst v63  }
0xb9: {  	_ =	swait.ge [sflag:s16], $0x800  }
0xba: {  	[sflag:s16] =	ssyncset.done $0x0  }
0xbb: {  	[sflag:s16] =	ssyncadd.s32 $0xFFFFF800  }
0xbc: {  	_ =	swait.ge [sflag:s25], $0x4000  }
0xbd: {  	[sflag:s25] =	ssyncset.done $0x0  }
0xbe: {  	[sflag:s25] =	ssyncadd.s32 $0xFFFFC000  }
0xbf: {  	[spmem:s2] =	stream.indirect.scatter.add.bf16 [tilespmem:s20], [sflag:$0x3], $0x80, s28, s18, $0xb8;
	[tilespmem:$0x1FF80] =	vst v63  }
0xc0: {  	_ =	swait.ge [sflag:s16], $0x4000  }
0xc1: {  	[sflag:s16] =	ssyncset.done $0x0  }
0xc2: {  	[sflag:s16] =	ssyncadd.s32 $0xFFFFC000  }
0xc3: {  	[spmem:s3] =	stream.indirect.scatter.add.f32 [tilespmem:s21], [sflag:$0x3], $0x10, s28, s18, $0xb8;
	[tilespmem:$0x1FF80] =	vst v63  }
0xc4: {  	_ =	swait.ge [sflag:s16], $0x800  }
0xc5: {  	[sflag:s16] =	ssyncset.done $0x0  }
0xc6: {  	[sflag:s16] =	ssyncadd.s32 $0xFFFFF800  }
0xc7: {  	[bflag:$0x0] =	sbarrier.arrive $0xFFFF  }
0xc8: {  	[hbm:s22], [sflag:s30] =	dma.local [spmem:s31], $0x2780  }
0xc9: {  	s29 =	sadd.s32 $0x1, s29;
	_ =	swait.ge [sflag:s16], $0x2780  }
0xca: {  	p0 =	sne.s32 s29, s15;
	[sflag:s16] =	ssyncset.done $0x0  }
.Ltmp2:
0xcb: {  	[sflag:s16] =	ssyncadd.s32 $0xFFFFD880;
	(pc) =	sbr.rel @p0 .LBB2_1-.Ltmp2, $4  }
0xcc: {  	[hbm:s24], [sflag:s30] =	dma.local [spmem:s0], $0x4F0  }
0xcd: {  	_ =	swait.ge [sflag:s16], $0x4F0  }
0xce: {  	[sflag:s16] =	ssyncset.done $0x0  }
0xcf: {  	[sflag:s16] =	ssyncadd.s32 $0xFFFFFB10  }
0xd0: {  	_ =	sfence.sel $0x180000  }
0xd1: {  	[bflag:$0x0] =	sbarrier.arrive $0xFFFF  }
0xd2: {  	_ =	strace $0x90000047  }
0xd3: {  	s0 =	stileid.u32;
	[bflag:$0x2] =	sbarrier.arrive $0xFFFF  }
0xd4: {  	p0 =	sne.s32 s0, $0x0;
	s0 =	rddreg [dreg:$0x4]  }
0xd5: {  	s0 =	sadd.s32 @!p0 $0x100000, s0  }
0xd6: {  	[sflag:s0] =	ssyncadd.tile.s32 @!p0 $0x1;
	_ =	shalt  }
.Lfunc_end2:
_tile_overlayer_lowered:
.L_overlay_start_2:
0xd7: {  	(tag) =	ssettag $0x2  }
0xd8: {  	s0 =	rddreg [dreg:$0x0];
	s2 =	stileid.u32  }
0xd9: {  	s1 =	rddreg [dreg:$0x1];
	p0 =	sne.s32 s2, $0x0  }
0xda: {  	s3 =	rddreg [dreg:$0x2];
	[bflag:$0x3] =	sbarrier.arrive $0xFFFF;
	s2 =	simm.s32 @!p0 $0x1C03  }
0xdb: {  	[timem:s3], [sflag:s2] =	dma.local @!p0 [hbm:s0], s1  }
0xdc: {  	s0 =	simm.s32 @!p0 $0x3  }
0xdd: {  	_ =	swait.ge @!p0 [sflag:s0], s1  }
0xde: {  	s1 =	ssub.s32 @!p0 $0x0, s1;
	[sflag:s0] =	ssyncset.done @!p0 $0x0  }
0xdf: {  	[sflag:s0] =	ssyncadd.s32 @!p0 s1  }
0xe0: {  	[bflag:$0x3] =	sbarrier.arrive $0xFFFF  }
0xe1: {  	_ =	shalt  }

</sc_bundles>
